<compile_context>
chip_gen: v7x
topology: tpu7x:2x2x1
jax: 0.10.2.dev20260603
libtpu: 0.0.44.dev20260713+nightly
codegen_flags: <defaults>
</compile_context>

<pallas_src>
import functools

import jax
import jax.numpy as jnp
from jax import lax
from jax.experimental import pallas as pl
from jax.experimental.pallas import tpu as pltpu
from jax.experimental.pallas import tpu_sc as plsc

B = 1024
C = 100000
KD = 128
VD = 128
K = 16
CB = 1024
NB = (C + CB - 1) // CB
G = 8
NF = CB // G
NCAND = K * G

_NEG_INF = float("-inf")
_I32_MAX = jnp.iinfo(jnp.int32).max


def _fold_body(query_ref, wq_ref, bq_ref, keys_ref, fv_ref, fp_ref, s_ref,
               q_s):
    b = pl.program_id(0)

    @pl.when(b == 0)
    def _init():
        q = lax.dot_general(query_ref[...], wq_ref[...],
                            (((1,), (1,)), ((), ())),
                            preferred_element_type=jnp.float32)
        q_s[...] = q + bq_ref[...]

    s = lax.dot_general(q_s[...], keys_ref[...],
                        (((1,), (1,)), ((), ())),
                        preferred_element_type=jnp.float32)
    pos = b * CB + lax.broadcasted_iota(jnp.int32, (1, CB), 1)
    s = jnp.where(pos < C, s, _NEG_INF)
    s_ref[...] = s.reshape(1, B, CB)

    v = s.reshape(B, G, NF)
    p = jnp.broadcast_to(pos.reshape(1, G, NF), (B, G, NF))
    for half in (4, 2, 1):
        va, vb = v[:, :half, :], v[:, half:, :]
        pa, pb = p[:, :half, :], p[:, half:, :]
        gt = (va > vb) | ((va == vb) & (pa < pb))
        v = jnp.where(gt, va, vb)
        p = jnp.where(gt, pa, pb)
    fv_ref[...] = v.reshape(1, B, NF)
    fp_ref[...] = p.reshape(1, B, NF)


def _fold_call(query, mem_keys, W_q, b_q):
    return pl.pallas_call(
        _fold_body,
        grid=(NB,),
        in_specs=[
            pl.BlockSpec((B, KD), lambda b: (0, 0)),
            pl.BlockSpec((KD, KD), lambda b: (0, 0)),
            pl.BlockSpec((1, KD), lambda b: (0, 0)),
            pl.BlockSpec((CB, KD), lambda b: (b, 0)),
        ],
        out_specs=[
            pl.BlockSpec((1, B, NF), lambda b: (b, 0, 0)),
            pl.BlockSpec((1, B, NF), lambda b: (b, 0, 0)),
            pl.BlockSpec((1, B, CB), lambda b: (b, 0, 0)),
        ],
        out_shape=[
            jax.ShapeDtypeStruct((NB, B, NF), jnp.float32),
            jax.ShapeDtypeStruct((NB, B, NF), jnp.int32),
            jax.ShapeDtypeStruct((NB, B, CB), jnp.float32),
        ],
        scratch_shapes=[
            pltpu.VMEM((B, KD), jnp.float32),
        ],
    )(query, W_q, b_q.reshape(1, KD), mem_keys)


_RBB = 64


def _gtop_body(fv_ref, fp_ref, pos_ref):
    v = fv_ref[...]
    p = fp_ref[...]
    top_p = []
    for _ in range(K):
        m = jnp.max(jnp.max(v, axis=2, keepdims=True), axis=0,
                    keepdims=True)
        cand = jnp.where(v == m, p, _I32_MAX)
        mi = jnp.min(jnp.min(cand, axis=2, keepdims=True), axis=0,
                     keepdims=True)
        top_p.append(mi.reshape(_RBB, 1))
        v = jnp.where(cand == mi, _NEG_INF, v)
    pos_ref[...] = jnp.concatenate(top_p, axis=1)


def _gtop_call(fv, fp):
    return pl.pallas_call(
        _gtop_body,
        grid=(B // _RBB,),
        in_specs=[
            pl.BlockSpec((NB, _RBB, NF), lambda r: (0, r, 0)),
            pl.BlockSpec((NB, _RBB, NF), lambda r: (0, r, 0)),
        ],
        out_specs=pl.BlockSpec((_RBB, K), lambda r: (r, 0)),
        out_shape=jax.ShapeDtypeStruct((B, K), jnp.int32),
    )(fv, fp)


_RBC = 256


def _select_body(gs_ref, ci_ref, att_ref, idx_ref):
    s = gs_ref[...]
    gi = ci_ref[...]
    top_v = []
    top_i = []
    for _ in range(K):
        m = jnp.max(s, axis=1, keepdims=True)
        cand = jnp.where(s == m, gi, _I32_MAX)
        mi = jnp.min(cand, axis=1, keepdims=True)
        top_v.append(m)
        top_i.append(mi)
        s = jnp.where(cand == mi, _NEG_INF, s)
    top = jnp.concatenate(top_v, axis=1)
    e = jnp.exp(top - top[:, 0:1])
    att_ref[...] = e / jnp.sum(e, axis=1, keepdims=True)
    idx_ref[...] = jnp.concatenate(top_i, axis=1)


def _select_call(gscores, cidx):
    return pl.pallas_call(
        _select_body,
        grid=(B // _RBC,),
        in_specs=[
            pl.BlockSpec((_RBC, NCAND), lambda r: (r, 0)),
            pl.BlockSpec((_RBC, NCAND), lambda r: (r, 0)),
        ],
        out_specs=[
            pl.BlockSpec((_RBC, K), lambda r: (r, 0)),
            pl.BlockSpec((_RBC, K), lambda r: (r, 0)),
        ],
        out_shape=[
            jax.ShapeDtypeStruct((B, K), jnp.float32),
            jax.ShapeDtypeStruct((B, K), jnp.int32),
        ],
    )(gscores, cidx)


_NW = 32


def _make_gather(out_shape, table_rank2, n_idx):
    bpw = n_idx // _NW
    chunk = 128
    nch = bpw // chunk
    wave = min(nch, 4)
    mesh = plsc.VectorSubcoreMesh(core_axis_name="c", subcore_axis_name="s")
    if table_rank2:
        buf = pltpu.VMEM((wave * chunk, out_shape[1]), jnp.float32)
    else:
        buf = pltpu.VMEM((wave * chunk,), jnp.float32)

    def body(table_hbm, idx_hbm, out_hbm, idx_v, rows_v, sem):
        wid = lax.axis_index("s") * 2 + lax.axis_index("c")
        base = wid * bpw
        pltpu.sync_copy(idx_hbm.at[pl.ds(base, bpw)], idx_v)

        def do_wave(w):
            off = w * wave * chunk
            copies = []
            for j in range(wave):
                copies.append(pltpu.async_copy(
                    table_hbm.at[idx_v.at[pl.ds(off + j * chunk, chunk)]],
                    rows_v.at[pl.ds(j * chunk, chunk)],
                    sem,
                ))
            for cp in copies:
                cp.wait()
            pltpu.sync_copy(rows_v, out_hbm.at[pl.ds(base + off, wave * chunk)])

        if nch == wave:
            do_wave(0)
        else:
            pl.loop(0, nch // wave)(do_wave)

    call = functools.partial(
        pl.kernel,
        mesh=mesh,
        out_type=jax.ShapeDtypeStruct(out_shape, jnp.float32),
        scratch_types=[
            pltpu.VMEM((bpw,), jnp.int32),
            buf,
            pltpu.SemaphoreType.DMA,
        ],
    )(body)
    return call


def kernel(query, mem_keys, mem_values, W_q, b_q, k):
    fv, fp, scores = _fold_call(query, mem_keys, W_q, b_q)
    gpos = _gtop_call(fv, fp)
    lane = gpos % NF
    blk = gpos // CB
    members = (blk * CB + lane)[:, :, None] + NF * jnp.arange(G, dtype=jnp.int32)
    members = jnp.minimum(members, C - 1)
    cidx = members.reshape(B, NCAND)
    rows = jnp.arange(B, dtype=jnp.int32)[:, None]
    sflat = (cidx // CB) * (B * CB) + rows * CB + cidx % CB
    gscores = _make_gather((B * NCAND,), False, B * NCAND)(
        scores.reshape(NB * B * CB), sflat.reshape(B * NCAND)
    ).reshape(B, NCAND)
    att, top_idx = _select_call(gscores, cidx)
    retrieved = _make_gather((B * K, VD), True, B * K)(
        mem_values, top_idx.reshape(B * K)).reshape(B, K, VD)
    return retrieved, att

# --- scband reference (transcript-rebuilt; emitter-appended) ---
"""Pipeline reference for scband-semantic-memory-39822936769254 (READ-ONLY COPY).

The authoritative reference and input builder live on the scoring server;
editing this copy changes nothing except your own understanding.
"""

import jax, jax.numpy as jnp
import numpy as np

B, C, KD, VD = 1024, 100000, 128, 128

def setup_inputs(seed: int = 0) -> dict:
    key = jax.random.key(seed)
    k1, k2, k3, k4, k5 = jax.random.split(key, 5)
    query = jax.random.normal(k1, (B, KD), dtype=jnp.float32)
    # xavier_uniform init for memory keys/values
    bk = float(np.sqrt(6.0 / (C + KD)))
    bv = float(np.sqrt(6.0 / (C + VD)))
    mem_keys = jax.random.uniform(k2, (C, KD), minval=-bk, maxval=bk, dtype=jnp.float32)
    mem_values = jax.random.uniform(k3, (C, VD), minval=-bv, maxval=bv, dtype=jnp.float32)
    # nn.Linear default init (kaiming-uniform-ish)
    bw = float(np.sqrt(1.0 / KD))
    W_q = jax.random.uniform(k4, (KD, KD), minval=-bw, maxval=bw, dtype=jnp.float32)
    b_q = jax.random.uniform(k5, (KD,), minval=-bw, maxval=bw, dtype=jnp.float32)
    return {"query": query, "mem_keys": mem_keys, "mem_values": mem_values, "W_q": W_q, "b_q": b_q, "k": 16}

def reference(query, mem_keys, mem_values, W_q, b_q, k):
    temperature = 1.0
    k_static = 16
    q = query @ W_q.T + b_q                       # query_projection
    scores = (q @ mem_keys.T) / temperature       # [B, C]
    top_scores, top_indices = jax.lax.top_k(scores, k_static)  # [B, k]
    top_scores = top_scores + ((jnp.asarray(k) - k_static) * 0).astype(top_scores.dtype)
    retrieved_values = jnp.take(mem_values, top_indices, axis=0)  # [B, k, VD]
    attention_weights = jax.nn.softmax(top_scores, axis=-1)       # [B, k]
    return (retrieved_values, attention_weights)

if __name__ == "__main__":
    import jax
    _d = setup_inputs()
    print(jax.jit(kernel)(*tuple(_d.values())))

</pallas_src>

<mosaic_0001>
#map = affine_map<(d0, d1) -> (0, 0)>
#map1 = affine_map<(d0, d1) -> (0)>
module attributes {stable_mosaic.version = 14 : i64} {
  func.func @body(%arg0: i32, %arg1: i32, %arg2: memref<100000x128xf32, #tpu.memory_space<hbm>>, %arg3: memref<16384xi32, #tpu.memory_space<hbm>>, %arg4: memref<16384x128xf32, #tpu.memory_space<hbm>>, %arg5: memref<512xi32, #tpu.memory_space<vmem>>, %arg6: memref<512x128xf32, #tpu.memory_space<vmem>>, %arg7: memref<!tpu.dma_semaphore, #tpu.memory_space<semaphore_mem>>) attributes {dimension_semantics = [#tpu.dimension_semantics<core_parallel>, #tpu.dimension_semantics<subcore_parallel>], iteration_bounds = array<i64: 2, 16>, scalar_prefetch = 0 : i64, scratch_operands = 3 : i64, tpu.core_type = #tpu.core_type<sc_vector_subcore>, window_params = [{transform_indices = #map}, {transform_indices = #map1}, {transform_indices = #map}]} {
    %mul3A = arith.constant 2 : i32
    %mul3A_0 = arith.muli %arg1, %mul3A : i32
    %add3A = arith.addi %mul3A_0, %arg0 : i32
    %mul3A_1 = arith.constant 512 : i32
    %mul3A_2 = arith.muli %add3A, %mul3A_1 : i32
    "tpu.region"() ({
      %run_scoped3A = tpu.sem_alloc : memref<!tpu.dma_semaphore, #tpu.memory_space<semaphore_mem>>
      %dma_start3A_67 = tpu.memref_slice %arg3[%mul3A_2] : memref<16384xi32, #tpu.memory_space<hbm>> -> memref<512xi32, #tpu.memory_space<hbm>>
      %dma_start3A_68 = tpu.memref_slice %arg3[%mul3A_2] : memref<16384xi32, #tpu.memory_space<hbm>> -> memref<512xi32, #tpu.memory_space<hbm>>
      tpu.enqueue_dma source(%dma_start3A_68 : memref<512xi32, #tpu.memory_space<hbm>>) target(%arg5 : memref<512xi32, #tpu.memory_space<vmem>>) target_semaphore(%run_scoped3A : memref<!tpu.dma_semaphore, #tpu.memory_space<semaphore_mem>>)
      %dma_wait3A_69 = tpu.memref_slice %arg3[%mul3A_2] : memref<16384xi32, #tpu.memory_space<hbm>> -> memref<512xi32, #tpu.memory_space<hbm>>
      %dma_wait3A_70 = tpu.memref_slice %arg3[%mul3A_2] : memref<16384xi32, #tpu.memory_space<hbm>> -> memref<512xi32, #tpu.memory_space<hbm>>
      tpu.wait_dma2 semaphore(%run_scoped3A : memref<!tpu.dma_semaphore, #tpu.memory_space<semaphore_mem>>) src(%dma_wait3A_70 : memref<512xi32, #tpu.memory_space<hbm>>) dst(%arg5 : memref<512xi32, #tpu.memory_space<vmem>>)
      tpu.yield
    }) : () -> ()
    %dma_start3A = arith.constant 0 : i32
    %dma_start3A_3 = arith.constant 0 : i32
    %dma_start3A_4 = tpu.memref_slice %arg6[%dma_start3A, %dma_start3A_3] : memref<512x128xf32, #tpu.memory_space<vmem>> -> memref<128x128xf32, #tpu.memory_space<vmem>>
    %dma_start3A_5 = arith.constant 0 : i32
    %dma_start3A_6 = tpu.memref_slice %arg5[%dma_start3A_5] : memref<512xi32, #tpu.memory_space<vmem>> -> memref<128xi32, #tpu.memory_space<vmem>>
    %dma_start3A_7 = arith.constant 0 : i32
    %dma_start3A_8 = arith.constant 0 : i32
    %dma_start3A_9 = tpu.memref_slice %arg2[%dma_start3A_7, %dma_start3A_8] : memref<100000x128xf32, #tpu.memory_space<hbm>> -> memref<100000x128xf32, #tpu.memory_space<hbm>>
    tpu.enqueue_indirect_dma source(%dma_start3A_9 : memref<100000x128xf32, #tpu.memory_space<hbm>>) target(%dma_start3A_4 : memref<128x128xf32, #tpu.memory_space<vmem>>) offsets(%dma_start3A_6 : memref<128xi32, #tpu.memory_space<vmem>>) semaphore(%arg7 : memref<!tpu.dma_semaphore, #tpu.memory_space<semaphore_mem>>)
    %dma_start3A_10 = arith.constant 128 : i32
    %dma_start3A_11 = arith.constant 0 : i32
    %dma_start3A_12 = tpu.memref_slice %arg6[%dma_start3A_10, %dma_start3A_11] : memref<512x128xf32, #tpu.memory_space<vmem>> -> memref<128x128xf32, #tpu.memory_space<vmem>>
    %dma_start3A_13 = arith.constant 128 : i32
    %dma_start3A_14 = tpu.memref_slice %arg5[%dma_start3A_13] : memref<512xi32, #tpu.memory_space<vmem>> -> memref<128xi32, #tpu.memory_space<vmem>>
    %dma_start3A_15 = arith.constant 0 : i32
    %dma_start3A_16 = arith.constant 0 : i32
    %dma_start3A_17 = tpu.memref_slice %arg2[%dma_start3A_15, %dma_start3A_16] : memref<100000x128xf32, #tpu.memory_space<hbm>> -> memref<100000x128xf32, #tpu.memory_space<hbm>>
    tpu.enqueue_indirect_dma source(%dma_start3A_17 : memref<100000x128xf32, #tpu.memory_space<hbm>>) target(%dma_start3A_12 : memref<128x128xf32, #tpu.memory_space<vmem>>) offsets(%dma_start3A_14 : memref<128xi32, #tpu.memory_space<vmem>>) semaphore(%arg7 : memref<!tpu.dma_semaphore, #tpu.memory_space<semaphore_mem>>)
    %dma_start3A_18 = arith.constant 256 : i32
    %dma_start3A_19 = arith.constant 0 : i32
    %dma_start3A_20 = tpu.memref_slice %arg6[%dma_start3A_18, %dma_start3A_19] : memref<512x128xf32, #tpu.memory_space<vmem>> -> memref<128x128xf32, #tpu.memory_space<vmem>>
    %dma_start3A_21 = arith.constant 256 : i32
    %dma_start3A_22 = tpu.memref_slice %arg5[%dma_start3A_21] : memref<512xi32, #tpu.memory_space<vmem>> -> memref<128xi32, #tpu.memory_space<vmem>>
    %dma_start3A_23 = arith.constant 0 : i32
    %dma_start3A_24 = arith.constant 0 : i32
    %dma_start3A_25 = tpu.memref_slice %arg2[%dma_start3A_23, %dma_start3A_24] : memref<100000x128xf32, #tpu.memory_space<hbm>> -> memref<100000x128xf32, #tpu.memory_space<hbm>>
    tpu.enqueue_indirect_dma source(%dma_start3A_25 : memref<100000x128xf32, #tpu.memory_space<hbm>>) target(%dma_start3A_20 : memref<128x128xf32, #tpu.memory_space<vmem>>) offsets(%dma_start3A_22 : memref<128xi32, #tpu.memory_space<vmem>>) semaphore(%arg7 : memref<!tpu.dma_semaphore, #tpu.memory_space<semaphore_mem>>)
    %dma_start3A_26 = arith.constant 384 : i32
    %dma_start3A_27 = arith.constant 0 : i32
    %dma_start3A_28 = tpu.memref_slice %arg6[%dma_start3A_26, %dma_start3A_27] : memref<512x128xf32, #tpu.memory_space<vmem>> -> memref<128x128xf32, #tpu.memory_space<vmem>>
    %dma_start3A_29 = arith.constant 384 : i32
    %dma_start3A_30 = tpu.memref_slice %arg5[%dma_start3A_29] : memref<512xi32, #tpu.memory_space<vmem>> -> memref<128xi32, #tpu.memory_space<vmem>>
    %dma_start3A_31 = arith.constant 0 : i32
    %dma_start3A_32 = arith.constant 0 : i32
    %dma_start3A_33 = tpu.memref_slice %arg2[%dma_start3A_31, %dma_start3A_32] : memref<100000x128xf32, #tpu.memory_space<hbm>> -> memref<100000x128xf32, #tpu.memory_space<hbm>>
    tpu.enqueue_indirect_dma source(%dma_start3A_33 : memref<100000x128xf32, #tpu.memory_space<hbm>>) target(%dma_start3A_28 : memref<128x128xf32, #tpu.memory_space<vmem>>) offsets(%dma_start3A_30 : memref<128xi32, #tpu.memory_space<vmem>>) semaphore(%arg7 : memref<!tpu.dma_semaphore, #tpu.memory_space<semaphore_mem>>)
    %dma_wait3A = arith.constant 0 : i32
    %dma_wait3A_34 = arith.constant 0 : i32
    %dma_wait3A_35 = tpu.memref_slice %arg6[%dma_wait3A, %dma_wait3A_34] : memref<512x128xf32, #tpu.memory_space<vmem>> -> memref<128x128xf32, #tpu.memory_space<vmem>>
    %dma_wait3A_36 = arith.constant 0 : i32
    %dma_wait3A_37 = tpu.memref_slice %arg5[%dma_wait3A_36] : memref<512xi32, #tpu.memory_space<vmem>> -> memref<128xi32, #tpu.memory_space<vmem>>
    %dma_wait3A_38 = arith.constant 0 : i32
    %dma_wait3A_39 = arith.constant 0 : i32
    %dma_wait3A_40 = tpu.memref_slice %arg2[%dma_wait3A_38, %dma_wait3A_39] : memref<100000x128xf32, #tpu.memory_space<hbm>> -> memref<100000x128xf32, #tpu.memory_space<hbm>>
    tpu.wait_indirect_dma semaphore(%arg7 : memref<!tpu.dma_semaphore, #tpu.memory_space<semaphore_mem>>) src(%dma_wait3A_40 : memref<100000x128xf32, #tpu.memory_space<hbm>>) dst(%dma_wait3A_35 : memref<128x128xf32, #tpu.memory_space<vmem>>)
    %dma_wait3A_41 = arith.constant 128 : i32
    %dma_wait3A_42 = arith.constant 0 : i32
    %dma_wait3A_43 = tpu.memref_slice %arg6[%dma_wait3A_41, %dma_wait3A_42] : memref<512x128xf32, #tpu.memory_space<vmem>> -> memref<128x128xf32, #tpu.memory_space<vmem>>
    %dma_wait3A_44 = arith.constant 128 : i32
    %dma_wait3A_45 = tpu.memref_slice %arg5[%dma_wait3A_44] : memref<512xi32, #tpu.memory_space<vmem>> -> memref<128xi32, #tpu.memory_space<vmem>>
    %dma_wait3A_46 = arith.constant 0 : i32
    %dma_wait3A_47 = arith.constant 0 : i32
    %dma_wait3A_48 = tpu.memref_slice %arg2[%dma_wait3A_46, %dma_wait3A_47] : memref<100000x128xf32, #tpu.memory_space<hbm>> -> memref<100000x128xf32, #tpu.memory_space<hbm>>
    tpu.wait_indirect_dma semaphore(%arg7 : memref<!tpu.dma_semaphore, #tpu.memory_space<semaphore_mem>>) src(%dma_wait3A_48 : memref<100000x128xf32, #tpu.memory_space<hbm>>) dst(%dma_wait3A_43 : memref<128x128xf32, #tpu.memory_space<vmem>>)
    %dma_wait3A_49 = arith.constant 256 : i32
    %dma_wait3A_50 = arith.constant 0 : i32
    %dma_wait3A_51 = tpu.memref_slice %arg6[%dma_wait3A_49, %dma_wait3A_50] : memref<512x128xf32, #tpu.memory_space<vmem>> -> memref<128x128xf32, #tpu.memory_space<vmem>>
    %dma_wait3A_52 = arith.constant 256 : i32
    %dma_wait3A_53 = tpu.memref_slice %arg5[%dma_wait3A_52] : memref<512xi32, #tpu.memory_space<vmem>> -> memref<128xi32, #tpu.memory_space<vmem>>
    %dma_wait3A_54 = arith.constant 0 : i32
    %dma_wait3A_55 = arith.constant 0 : i32
    %dma_wait3A_56 = tpu.memref_slice %arg2[%dma_wait3A_54, %dma_wait3A_55] : memref<100000x128xf32, #tpu.memory_space<hbm>> -> memref<100000x128xf32, #tpu.memory_space<hbm>>
    tpu.wait_indirect_dma semaphore(%arg7 : memref<!tpu.dma_semaphore, #tpu.memory_space<semaphore_mem>>) src(%dma_wait3A_56 : memref<100000x128xf32, #tpu.memory_space<hbm>>) dst(%dma_wait3A_51 : memref<128x128xf32, #tpu.memory_space<vmem>>)
    %dma_wait3A_57 = arith.constant 384 : i32
    %dma_wait3A_58 = arith.constant 0 : i32
    %dma_wait3A_59 = tpu.memref_slice %arg6[%dma_wait3A_57, %dma_wait3A_58] : memref<512x128xf32, #tpu.memory_space<vmem>> -> memref<128x128xf32, #tpu.memory_space<vmem>>
    %dma_wait3A_60 = arith.constant 384 : i32
    %dma_wait3A_61 = tpu.memref_slice %arg5[%dma_wait3A_60] : memref<512xi32, #tpu.memory_space<vmem>> -> memref<128xi32, #tpu.memory_space<vmem>>
    %dma_wait3A_62 = arith.constant 0 : i32
    %dma_wait3A_63 = arith.constant 0 : i32
    %dma_wait3A_64 = tpu.memref_slice %arg2[%dma_wait3A_62, %dma_wait3A_63] : memref<100000x128xf32, #tpu.memory_space<hbm>> -> memref<100000x128xf32, #tpu.memory_space<hbm>>
    tpu.wait_indirect_dma semaphore(%arg7 : memref<!tpu.dma_semaphore, #tpu.memory_space<semaphore_mem>>) src(%dma_wait3A_64 : memref<100000x128xf32, #tpu.memory_space<hbm>>) dst(%dma_wait3A_59 : memref<128x128xf32, #tpu.memory_space<vmem>>)
    %add3A_65 = arith.constant 0 : i32
    %add3A_66 = arith.addi %mul3A_2, %add3A_65 : i32
    "tpu.region"() ({
      %run_scoped3A = tpu.sem_alloc : memref<!tpu.dma_semaphore, #tpu.memory_space<semaphore_mem>>
      %dma_start3A_67 = arith.constant 0 : i32
      %dma_start3A_68 = tpu.memref_slice %arg4[%add3A_66, %dma_start3A_67] : memref<16384x128xf32, #tpu.memory_space<hbm>> -> memref<512x128xf32, #tpu.memory_space<hbm>>
      %dma_start3A_69 = arith.constant 0 : i32
      %dma_start3A_70 = tpu.memref_slice %arg4[%add3A_66, %dma_start3A_69] : memref<16384x128xf32, #tpu.memory_space<hbm>> -> memref<512x128xf32, #tpu.memory_space<hbm>>
      tpu.enqueue_dma source(%arg6 : memref<512x128xf32, #tpu.memory_space<vmem>>) target(%dma_start3A_70 : memref<512x128xf32, #tpu.memory_space<hbm>>) target_semaphore(%run_scoped3A : memref<!tpu.dma_semaphore, #tpu.memory_space<semaphore_mem>>)
      %dma_wait3A_71 = arith.constant 0 : i32
      %dma_wait3A_72 = tpu.memref_slice %arg4[%add3A_66, %dma_wait3A_71] : memref<16384x128xf32, #tpu.memory_space<hbm>> -> memref<512x128xf32, #tpu.memory_space<hbm>>
      %dma_wait3A_73 = arith.constant 0 : i32
      %dma_wait3A_74 = tpu.memref_slice %arg4[%add3A_66, %dma_wait3A_73] : memref<16384x128xf32, #tpu.memory_space<hbm>> -> memref<512x128xf32, #tpu.memory_space<hbm>>
      tpu.wait_dma2 semaphore(%run_scoped3A : memref<!tpu.dma_semaphore, #tpu.memory_space<semaphore_mem>>) src(%arg6 : memref<512x128xf32, #tpu.memory_space<vmem>>) dst(%dma_wait3A_74 : memref<512x128xf32, #tpu.memory_space<hbm>>)
      tpu.yield
    }) : () -> ()
    return
  }
}

#map = affine_map<(d0, d1) -> (0)>
module attributes {stable_mosaic.version = 14 : i64} {
  func.func @body(%arg0: i32, %arg1: i32, %arg2: memref<102760448xf32, #tpu.memory_space<hbm>>, %arg3: memref<131072xi32, #tpu.memory_space<hbm>>, %arg4: memref<131072xf32, #tpu.memory_space<hbm>>, %arg5: memref<4096xi32, #tpu.memory_space<vmem>>, %arg6: memref<512xf32, #tpu.memory_space<vmem>>, %arg7: memref<!tpu.dma_semaphore, #tpu.memory_space<semaphore_mem>>) attributes {dimension_semantics = [#tpu.dimension_semantics<core_parallel>, #tpu.dimension_semantics<subcore_parallel>], iteration_bounds = array<i64: 2, 16>, scalar_prefetch = 0 : i64, scratch_operands = 3 : i64, tpu.core_type = #tpu.core_type<sc_vector_subcore>, window_params = [{transform_indices = #map}, {transform_indices = #map}, {transform_indices = #map}]} {
    %mul3A = arith.constant 2 : i32
    %mul3A_0 = arith.muli %arg1, %mul3A : i32
    %add3A = arith.addi %mul3A_0, %arg0 : i32
    %mul3A_1 = arith.constant 4096 : i32
    %mul3A_2 = arith.muli %add3A, %mul3A_1 : i32
    "tpu.region"() ({
      %run_scoped3A = tpu.sem_alloc : memref<!tpu.dma_semaphore, #tpu.memory_space<semaphore_mem>>
      %dma_start3A = tpu.memref_slice %arg3[%mul3A_2] : memref<131072xi32, #tpu.memory_space<hbm>> -> memref<4096xi32, #tpu.memory_space<hbm>>
      %dma_start3A_7 = tpu.memref_slice %arg3[%mul3A_2] : memref<131072xi32, #tpu.memory_space<hbm>> -> memref<4096xi32, #tpu.memory_space<hbm>>
      tpu.enqueue_dma source(%dma_start3A_7 : memref<4096xi32, #tpu.memory_space<hbm>>) target(%arg5 : memref<4096xi32, #tpu.memory_space<vmem>>) target_semaphore(%run_scoped3A : memref<!tpu.dma_semaphore, #tpu.memory_space<semaphore_mem>>)
      %dma_wait3A = tpu.memref_slice %arg3[%mul3A_2] : memref<131072xi32, #tpu.memory_space<hbm>> -> memref<4096xi32, #tpu.memory_space<hbm>>
      %dma_wait3A_8 = tpu.memref_slice %arg3[%mul3A_2] : memref<131072xi32, #tpu.memory_space<hbm>> -> memref<4096xi32, #tpu.memory_space<hbm>>
      tpu.wait_dma2 semaphore(%run_scoped3A : memref<!tpu.dma_semaphore, #tpu.memory_space<semaphore_mem>>) src(%dma_wait3A_8 : memref<4096xi32, #tpu.memory_space<hbm>>) dst(%arg5 : memref<4096xi32, #tpu.memory_space<vmem>>)
      tpu.yield
    }) : () -> ()
    %scan3A = arith.constant 0 : i32
    %scan3A_3 = arith.constant 8 : i32
    %scan3A_4 = arith.addi %scan3A, %scan3A_3 : i32
    %scan3A_5 = arith.constant 1 : i32
    scf.for %scan3A_7 = %scan3A to %scan3A_4 step %scan3A_5  : i32 {
      %mul3A_8 = arith.constant 1 : i32
      %mul3A_9 = arith.muli %scan3A_7, %mul3A_8 : i32
      %add3A_10 = arith.constant 0 : i32
      %add3A_11 = arith.addi %add3A_10, %mul3A_9 : i32
      %mul3A_12 = arith.constant 4 : i32
      %mul3A_13 = arith.muli %add3A_11, %mul3A_12 : i32
      %mul3A_14 = arith.constant 128 : i32
      %mul3A_15 = arith.muli %mul3A_13, %mul3A_14 : i32
      %add3A_16 = arith.constant 0 : i32
      %add3A_17 = arith.addi %mul3A_15, %add3A_16 : i32
      %dma_start3A = arith.constant 0 : i32
      %dma_start3A_18 = tpu.memref_slice %arg6[%dma_start3A] : memref<512xf32, #tpu.memory_space<vmem>> -> memref<128xf32, #tpu.memory_space<vmem>>
      %dma_start3A_19 = tpu.memref_slice %arg5[%add3A_17] : memref<4096xi32, #tpu.memory_space<vmem>> -> memref<128xi32, #tpu.memory_space<vmem>>
      %dma_start3A_20 = arith.constant 0 : i32
      %dma_start3A_21 = tpu.memref_slice %arg2[%dma_start3A_20] : memref<102760448xf32, #tpu.memory_space<hbm>> -> memref<102760448xf32, #tpu.memory_space<hbm>>
      tpu.enqueue_indirect_dma source(%dma_start3A_21 : memref<102760448xf32, #tpu.memory_space<hbm>>) target(%dma_start3A_18 : memref<128xf32, #tpu.memory_space<vmem>>) offsets(%dma_start3A_19 : memref<128xi32, #tpu.memory_space<vmem>>) semaphore(%arg7 : memref<!tpu.dma_semaphore, #tpu.memory_space<semaphore_mem>>)
      %add3A_22 = arith.constant 128 : i32
      %add3A_23 = arith.addi %mul3A_15, %add3A_22 : i32
      %dma_start3A_24 = arith.constant 128 : i32
      %dma_start3A_25 = tpu.memref_slice %arg6[%dma_start3A_24] : memref<512xf32, #tpu.memory_space<vmem>> -> memref<128xf32, #tpu.memory_space<vmem>>
      %dma_start3A_26 = tpu.memref_slice %arg5[%add3A_23] : memref<4096xi32, #tpu.memory_space<vmem>> -> memref<128xi32, #tpu.memory_space<vmem>>
      %dma_start3A_27 = arith.constant 0 : i32
      %dma_start3A_28 = tpu.memref_slice %arg2[%dma_start3A_27] : memref<102760448xf32, #tpu.memory_space<hbm>> -> memref<102760448xf32, #tpu.memory_space<hbm>>
      tpu.enqueue_indirect_dma source(%dma_start3A_28 : memref<102760448xf32, #tpu.memory_space<hbm>>) target(%dma_start3A_25 : memref<128xf32, #tpu.memory_space<vmem>>) offsets(%dma_start3A_26 : memref<128xi32, #tpu.memory_space<vmem>>) semaphore(%arg7 : memref<!tpu.dma_semaphore, #tpu.memory_space<semaphore_mem>>)
      %add3A_29 = arith.constant 256 : i32
      %add3A_30 = arith.addi %mul3A_15, %add3A_29 : i32
      %dma_start3A_31 = arith.constant 256 : i32
      %dma_start3A_32 = tpu.memref_slice %arg6[%dma_start3A_31] : memref<512xf32, #tpu.memory_space<vmem>> -> memref<128xf32, #tpu.memory_space<vmem>>
      %dma_start3A_33 = tpu.memref_slice %arg5[%add3A_30] : memref<4096xi32, #tpu.memory_space<vmem>> -> memref<128xi32, #tpu.memory_space<vmem>>
      %dma_start3A_34 = arith.constant 0 : i32
      %dma_start3A_35 = tpu.memref_slice %arg2[%dma_start3A_34] : memref<102760448xf32, #tpu.memory_space<hbm>> -> memref<102760448xf32, #tpu.memory_space<hbm>>
      tpu.enqueue_indirect_dma source(%dma_start3A_35 : memref<102760448xf32, #tpu.memory_space<hbm>>) target(%dma_start3A_32 : memref<128xf32, #tpu.memory_space<vmem>>) offsets(%dma_start3A_33 : memref<128xi32, #tpu.memory_space<vmem>>) semaphore(%arg7 : memref<!tpu.dma_semaphore, #tpu.memory_space<semaphore_mem>>)
      %add3A_36 = arith.constant 384 : i32
      %add3A_37 = arith.addi %mul3A_15, %add3A_36 : i32
      %dma_start3A_38 = arith.constant 384 : i32
      %dma_start3A_39 = tpu.memref_slice %arg6[%dma_start3A_38] : memref<512xf32, #tpu.memory_space<vmem>> -> memref<128xf32, #tpu.memory_space<vmem>>
      %dma_start3A_40 = tpu.memref_slice %arg5[%add3A_37] : memref<4096xi32, #tpu.memory_space<vmem>> -> memref<128xi32, #tpu.memory_space<vmem>>
      %dma_start3A_41 = arith.constant 0 : i32
      %dma_start3A_42 = tpu.memref_slice %arg2[%dma_start3A_41] : memref<102760448xf32, #tpu.memory_space<hbm>> -> memref<102760448xf32, #tpu.memory_space<hbm>>
      tpu.enqueue_indirect_dma source(%dma_start3A_42 : memref<102760448xf32, #tpu.memory_space<hbm>>) target(%dma_start3A_39 : memref<128xf32, #tpu.memory_space<vmem>>) offsets(%dma_start3A_40 : memref<128xi32, #tpu.memory_space<vmem>>) semaphore(%arg7 : memref<!tpu.dma_semaphore, #tpu.memory_space<semaphore_mem>>)
      %dma_wait3A = arith.constant 0 : i32
      %dma_wait3A_43 = tpu.memref_slice %arg6[%dma_wait3A] : memref<512xf32, #tpu.memory_space<vmem>> -> memref<128xf32, #tpu.memory_space<vmem>>
      %dma_wait3A_44 = tpu.memref_slice %arg5[%add3A_17] : memref<4096xi32, #tpu.memory_space<vmem>> -> memref<128xi32, #tpu.memory_space<vmem>>
      %dma_wait3A_45 = arith.constant 0 : i32
      %dma_wait3A_46 = tpu.memref_slice %arg2[%dma_wait3A_45] : memref<102760448xf32, #tpu.memory_space<hbm>> -> memref<102760448xf32, #tpu.memory_space<hbm>>
      tpu.wait_indirect_dma semaphore(%arg7 : memref<!tpu.dma_semaphore, #tpu.memory_space<semaphore_mem>>) src(%dma_wait3A_46 : memref<102760448xf32, #tpu.memory_space<hbm>>) dst(%dma_wait3A_43 : memref<128xf32, #tpu.memory_space<vmem>>)
      %dma_wait3A_47 = arith.constant 128 : i32
      %dma_wait3A_48 = tpu.memref_slice %arg6[%dma_wait3A_47] : memref<512xf32, #tpu.memory_space<vmem>> -> memref<128xf32, #tpu.memory_space<vmem>>
      %dma_wait3A_49 = tpu.memref_slice %arg5[%add3A_23] : memref<4096xi32, #tpu.memory_space<vmem>> -> memref<128xi32, #tpu.memory_space<vmem>>
      %dma_wait3A_50 = arith.constant 0 : i32
      %dma_wait3A_51 = tpu.memref_slice %arg2[%dma_wait3A_50] : memref<102760448xf32, #tpu.memory_space<hbm>> -> memref<102760448xf32, #tpu.memory_space<hbm>>
      tpu.wait_indirect_dma semaphore(%arg7 : memref<!tpu.dma_semaphore, #tpu.memory_space<semaphore_mem>>) src(%dma_wait3A_51 : memref<102760448xf32, #tpu.memory_space<hbm>>) dst(%dma_wait3A_48 : memref<128xf32, #tpu.memory_space<vmem>>)
      %dma_wait3A_52 = arith.constant 256 : i32
      %dma_wait3A_53 = tpu.memref_slice %arg6[%dma_wait3A_52] : memref<512xf32, #tpu.memory_space<vmem>> -> memref<128xf32, #tpu.memory_space<vmem>>
      %dma_wait3A_54 = tpu.memref_slice %arg5[%add3A_30] : memref<4096xi32, #tpu.memory_space<vmem>> -> memref<128xi32, #tpu.memory_space<vmem>>
      %dma_wait3A_55 = arith.constant 0 : i32
      %dma_wait3A_56 = tpu.memref_slice %arg2[%dma_wait3A_55] : memref<102760448xf32, #tpu.memory_space<hbm>> -> memref<102760448xf32, #tpu.memory_space<hbm>>
      tpu.wait_indirect_dma semaphore(%arg7 : memref<!tpu.dma_semaphore, #tpu.memory_space<semaphore_mem>>) src(%dma_wait3A_56 : memref<102760448xf32, #tpu.memory_space<hbm>>) dst(%dma_wait3A_53 : memref<128xf32, #tpu.memory_space<vmem>>)
      %dma_wait3A_57 = arith.constant 384 : i32
      %dma_wait3A_58 = tpu.memref_slice %arg6[%dma_wait3A_57] : memref<512xf32, #tpu.memory_space<vmem>> -> memref<128xf32, #tpu.memory_space<vmem>>
      %dma_wait3A_59 = tpu.memref_slice %arg5[%add3A_37] : memref<4096xi32, #tpu.memory_space<vmem>> -> memref<128xi32, #tpu.memory_space<vmem>>
      %dma_wait3A_60 = arith.constant 0 : i32
      %dma_wait3A_61 = tpu.memref_slice %arg2[%dma_wait3A_60] : memref<102760448xf32, #tpu.memory_space<hbm>> -> memref<102760448xf32, #tpu.memory_space<hbm>>
      tpu.wait_indirect_dma semaphore(%arg7 : memref<!tpu.dma_semaphore, #tpu.memory_space<semaphore_mem>>) src(%dma_wait3A_61 : memref<102760448xf32, #tpu.memory_space<hbm>>) dst(%dma_wait3A_58 : memref<128xf32, #tpu.memory_space<vmem>>)
      %add3A_62 = arith.addi %mul3A_2, %mul3A_15 : i32
      "tpu.region"() ({
        %run_scoped3A = tpu.sem_alloc : memref<!tpu.dma_semaphore, #tpu.memory_space<semaphore_mem>>
        %dma_start3A_63 = tpu.memref_slice %arg4[%add3A_62] : memref<131072xf32, #tpu.memory_space<hbm>> -> memref<512xf32, #tpu.memory_space<hbm>>
        %dma_start3A_64 = tpu.memref_slice %arg4[%add3A_62] : memref<131072xf32, #tpu.memory_space<hbm>> -> memref<512xf32, #tpu.memory_space<hbm>>
        tpu.enqueue_dma source(%arg6 : memref<512xf32, #tpu.memory_space<vmem>>) target(%dma_start3A_64 : memref<512xf32, #tpu.memory_space<hbm>>) target_semaphore(%run_scoped3A : memref<!tpu.dma_semaphore, #tpu.memory_space<semaphore_mem>>)
        %dma_wait3A_65 = tpu.memref_slice %arg4[%add3A_62] : memref<131072xf32, #tpu.memory_space<hbm>> -> memref<512xf32, #tpu.memory_space<hbm>>
        %dma_wait3A_66 = tpu.memref_slice %arg4[%add3A_62] : memref<131072xf32, #tpu.memory_space<hbm>> -> memref<512xf32, #tpu.memory_space<hbm>>
        tpu.wait_dma2 semaphore(%run_scoped3A : memref<!tpu.dma_semaphore, #tpu.memory_space<semaphore_mem>>) src(%arg6 : memref<512xf32, #tpu.memory_space<vmem>>) dst(%dma_wait3A_66 : memref<512xf32, #tpu.memory_space<hbm>>)
        tpu.yield
      }) : () -> ()
    }
    %scan3A_6 = arith.constant 8 : i32
    return
  }
}

module attributes {stable_mosaic.version = 14 : i64} {
  func.func @_fold_body(%arg0: i32, %arg1: memref<1024x128xf32, #tpu.memory_space<vmem>>, %arg2: memref<128x128xf32, #tpu.memory_space<vmem>>, %arg3: memref<1x128xf32, #tpu.memory_space<vmem>>, %arg4: memref<1024x128xf32, #tpu.memory_space<vmem>>, %arg5: memref<1x1024x128xf32, #tpu.memory_space<vmem>>, %arg6: memref<1x1024x128xi32, #tpu.memory_space<vmem>>, %arg7: memref<1x1024x1024xf32, #tpu.memory_space<vmem>>, %arg8: memref<1024x128xf32, #tpu.memory_space<vmem>>) attributes {dimension_semantics = [#tpu.dimension_semantics<arbitrary>], iteration_bounds = array<i64: 98>, scalar_prefetch = 0 : i64, scratch_operands = 1 : i64, tpu.core_type = #tpu.core_type<tc>, window_params = [{pipeline_mode = #tpu.pipeline_mode<synchronous>, transform_indices = @transform_0, window_bounds = array<i64: 1024, 128>}, {pipeline_mode = #tpu.pipeline_mode<synchronous>, transform_indices = @transform_1, window_bounds = array<i64: 128, 128>}, {pipeline_mode = #tpu.pipeline_mode<synchronous>, transform_indices = @transform_2, window_bounds = array<i64: 1, 128>}, {transform_indices = @transform_3, window_bounds = array<i64: 1024, 128>}, {transform_indices = @transform_4, window_bounds = array<i64: 1, 1024, 128>}, {transform_indices = @transform_5, window_bounds = array<i64: 1, 1024, 128>}, {transform_indices = @transform_6, window_bounds = array<i64: 1, 1024, 1024>}]} {
    %eq3A = arith.constant 0 : i32
    %eq3A_0 = arith.cmpi eq, %arg0, %eq3A : i32
    %convert_element_type3A = arith.extui %eq3A_0 : i1 to i32
    %cond3A = arith.constant 0 : i32
    %cond3A_1 = arith.cmpi ne, %convert_element_type3A, %cond3A : i32
    scf.if %cond3A_1 {
      %get3A_60 = arith.constant 0 : index
      %get3A_61 = arith.constant 0 : index
      %get3A_62 = vector.load %arg1[%get3A_60, %get3A_61] : memref<1024x128xf32, #tpu.memory_space<vmem>>, vector<1024x128xf32>
      %get3A_63 = arith.constant 0 : index
      %get3A_64 = arith.constant 0 : index
      %get3A_65 = vector.load %arg2[%get3A_63, %get3A_64] : memref<128x128xf32, #tpu.memory_space<vmem>>, vector<128x128xf32>
      %dot_general3A_66 = arith.constant dense<0.000000e+00> : vector<1024x128xf32>
      %dot_general3A_67 = tpu.matmul %get3A_62, %get3A_65, %dot_general3A_66 {dimension_numbers = #tpu.dot_dimension_numbers<[1], [1], [0], [0], [0, 0, 1, 0], [], []>, transpose_lhs_hint = false} : vector<1024x128xf32>, vector<128x128xf32>, vector<1024x128xf32> -> vector<1024x128xf32>
      %get3A_68 = arith.constant 0 : index
      %get3A_69 = arith.constant 0 : index
      %get3A_70 = vector.load %arg3[%get3A_68, %get3A_69] : memref<1x128xf32, #tpu.memory_space<vmem>>, vector<1x128xf32>
      %add3A_71 = vector.broadcast %get3A_70 : vector<1x128xf32> to vector<1024x128xf32>
      %add3A_72 = arith.addf %dot_general3A_67, %add3A_71 : vector<1024x128xf32>
      %swap3A_73 = arith.constant 0 : index
      %swap3A_74 = arith.constant 0 : index
      %swap3A_75 = vector.load %arg8[%swap3A_73, %swap3A_74] : memref<1024x128xf32, #tpu.memory_space<vmem>>, vector<1024x128xf32>
      tpu.vector_store %arg8[%swap3A_73, %swap3A_74], %add3A_72 {strides = array<i32>} : memref<1024x128xf32, #tpu.memory_space<vmem>>, vector<1024x128xf32>,
    } else {
    }
    %get3A = arith.constant 0 : index
    %get3A_2 = arith.constant 0 : index
    %get3A_3 = vector.load %arg8[%get3A, %get3A_2] : memref<1024x128xf32, #tpu.memory_space<vmem>>, vector<1024x128xf32>
    %get3A_4 = arith.constant 0 : index
    %get3A_5 = arith.constant 0 : index
    %get3A_6 = vector.load %arg4[%get3A_4, %get3A_5] : memref<1024x128xf32, #tpu.memory_space<vmem>>, vector<1024x128xf32>
    %dot_general3A = arith.constant dense<0.000000e+00> : vector<1024x1024xf32>
    %dot_general3A_7 = tpu.matmul %get3A_3, %get3A_6, %dot_general3A {dimension_numbers = #tpu.dot_dimension_numbers<[1], [1], [0], [0], [0, 0, 1, 0], [], []>, transpose_lhs_hint = false} : vector<1024x128xf32>, vector<1024x128xf32>, vector<1024x1024xf32> -> vector<1024x1024xf32>
    %mul3A = arith.constant 1024 : i32
    %mul3A_8 = arith.muli %arg0, %mul3A : i32
    %iota3A = tpu.iota {dimensions = array<i32: 1>} : vector<1x1024xi32>
    %add3A = vector.broadcast %mul3A_8 : i32 to vector<1x1024xi32>
    %add3A_9 = arith.addi %add3A, %iota3A : vector<1x1024xi32>
    %lt3A = arith.constant 100000 : i32
    %lt3A_10 = vector.broadcast %lt3A : i32 to vector<1x1024xi32>
    %lt3A_11 = arith.cmpi slt, %add3A_9, %lt3A_10 : vector<1x1024xi32>
    %jit3A = arith.constant 0xFF800000 : f32
    %broadcast_in_dim3A = vector.shape_cast %lt3A_11 : vector<1x1024xi1> to vector<1x1024xi1>
    %broadcast_in_dim3A_12 = vector.broadcast %broadcast_in_dim3A : vector<1x1024xi1> to vector<1024x1024xi1>
    %broadcast_in_dim3A_13 = vector.broadcast %jit3A : f32 to vector<1024x1024xf32>
    %select_n3A = arith.select %broadcast_in_dim3A_12, %dot_general3A_7, %broadcast_in_dim3A_13 : vector<1024x1024xi1>, vector<1024x1024xf32>
    %reshape3A = vector.shape_cast %select_n3A : vector<1024x1024xf32> to vector<1x1024x1024xf32>
    %swap3A = arith.constant 0 : index
    %swap3A_14 = arith.constant 0 : index
    %swap3A_15 = arith.constant 0 : index
    %swap3A_16 = vector.load %arg7[%swap3A, %swap3A_14, %swap3A_15] : memref<1x1024x1024xf32, #tpu.memory_space<vmem>>, vector<1x1024x1024xf32>
    tpu.vector_store %arg7[%swap3A, %swap3A_14, %swap3A_15], %reshape3A {strides = array<i32>} : memref<1x1024x1024xf32, #tpu.memory_space<vmem>>, vector<1x1024x1024xf32>,
    %reshape3A_17 = vector.shape_cast %select_n3A : vector<1024x1024xf32> to vector<1024x8x128xf32>
    %reshape3A_18 = vector.shape_cast %add3A_9 : vector<1x1024xi32> to vector<1x8x128xi32>
    %broadcast_in_dim3A_19 = vector.shape_cast %reshape3A_18 : vector<1x8x128xi32> to vector<1x8x128xi32>
    %broadcast_in_dim3A_20 = vector.broadcast %broadcast_in_dim3A_19 : vector<1x8x128xi32> to vector<1024x8x128xi32>
    %slice3A = vector.extract_strided_slice %reshape3A_17 {offsets = [0, 0, 0], sizes = [1024, 4, 128], strides = [1, 1, 1]} : vector<1024x8x128xf32> to vector<1024x4x128xf32>
    %slice3A_21 = vector.extract_strided_slice %reshape3A_17 {offsets = [0, 4, 0], sizes = [1024, 4, 128], strides = [1, 1, 1]} : vector<1024x8x128xf32> to vector<1024x4x128xf32>
    %slice3A_22 = vector.extract_strided_slice %broadcast_in_dim3A_20 {offsets = [0, 0, 0], sizes = [1024, 4, 128], strides = [1, 1, 1]} : vector<1024x8x128xi32> to vector<1024x4x128xi32>
    %slice3A_23 = vector.extract_strided_slice %broadcast_in_dim3A_20 {offsets = [0, 4, 0], sizes = [1024, 4, 128], strides = [1, 1, 1]} : vector<1024x8x128xi32> to vector<1024x4x128xi32>
    %gt3A = arith.cmpf ogt, %slice3A, %slice3A_21 : vector<1024x4x128xf32>
    %eq3A_24 = arith.cmpf oeq, %slice3A, %slice3A_21 : vector<1024x4x128xf32>
    %lt3A_25 = arith.cmpi slt, %slice3A_22, %slice3A_23 : vector<1024x4x128xi32>
    %and3A = arith.andi %eq3A_24, %lt3A_25 : vector<1024x4x128xi1>
    %or3A = arith.ori %gt3A, %and3A : vector<1024x4x128xi1>
    %select_n3A_26 = arith.select %or3A, %slice3A, %slice3A_21 : vector<1024x4x128xi1>, vector<1024x4x128xf32>
    %select_n3A_27 = arith.select %or3A, %slice3A_22, %slice3A_23 : vector<1024x4x128xi1>, vector<1024x4x128xi32>
    %slice3A_28 = vector.extract_strided_slice %select_n3A_26 {offsets = [0, 0, 0], sizes = [1024, 2, 128], strides = [1, 1, 1]} : vector<1024x4x128xf32> to vector<1024x2x128xf32>
    %slice3A_29 = vector.extract_strided_slice %select_n3A_26 {offsets = [0, 2, 0], sizes = [1024, 2, 128], strides = [1, 1, 1]} : vector<1024x4x128xf32> to vector<1024x2x128xf32>
    %slice3A_30 = vector.extract_strided_slice %select_n3A_27 {offsets = [0, 0, 0], sizes = [1024, 2, 128], strides = [1, 1, 1]} : vector<1024x4x128xi32> to vector<1024x2x128xi32>
    %slice3A_31 = vector.extract_strided_slice %select_n3A_27 {offsets = [0, 2, 0], sizes = [1024, 2, 128], strides = [1, 1, 1]} : vector<1024x4x128xi32> to vector<1024x2x128xi32>
    %gt3A_32 = arith.cmpf ogt, %slice3A_28, %slice3A_29 : vector<1024x2x128xf32>
    %eq3A_33 = arith.cmpf oeq, %slice3A_28, %slice3A_29 : vector<1024x2x128xf32>
    %lt3A_34 = arith.cmpi slt, %slice3A_30, %slice3A_31 : vector<1024x2x128xi32>
    %and3A_35 = arith.andi %eq3A_33, %lt3A_34 : vector<1024x2x128xi1>
    %or3A_36 = arith.ori %gt3A_32, %and3A_35 : vector<1024x2x128xi1>
    %select_n3A_37 = arith.select %or3A_36, %slice3A_28, %slice3A_29 : vector<1024x2x128xi1>, vector<1024x2x128xf32>
    %select_n3A_38 = arith.select %or3A_36, %slice3A_30, %slice3A_31 : vector<1024x2x128xi1>, vector<1024x2x128xi32>
    %slice3A_39 = vector.extract_strided_slice %select_n3A_37 {offsets = [0, 0, 0], sizes = [1024, 1, 128], strides = [1, 1, 1]} : vector<1024x2x128xf32> to vector<1024x1x128xf32>
    %slice3A_40 = vector.extract_strided_slice %select_n3A_37 {offsets = [0, 1, 0], sizes = [1024, 1, 128], strides = [1, 1, 1]} : vector<1024x2x128xf32> to vector<1024x1x128xf32>
    %slice3A_41 = vector.extract_strided_slice %select_n3A_38 {offsets = [0, 0, 0], sizes = [1024, 1, 128], strides = [1, 1, 1]} : vector<1024x2x128xi32> to vector<1024x1x128xi32>
    %slice3A_42 = vector.extract_strided_slice %select_n3A_38 {offsets = [0, 1, 0], sizes = [1024, 1, 128], strides = [1, 1, 1]} : vector<1024x2x128xi32> to vector<1024x1x128xi32>
    %gt3A_43 = arith.cmpf ogt, %slice3A_39, %slice3A_40 : vector<1024x1x128xf32>
    %eq3A_44 = arith.cmpf oeq, %slice3A_39, %slice3A_40 : vector<1024x1x128xf32>
    %lt3A_45 = arith.cmpi slt, %slice3A_41, %slice3A_42 : vector<1024x1x128xi32>
    %and3A_46 = arith.andi %eq3A_44, %lt3A_45 : vector<1024x1x128xi1>
    %or3A_47 = arith.ori %gt3A_43, %and3A_46 : vector<1024x1x128xi1>
    %select_n3A_48 = arith.select %or3A_47, %slice3A_39, %slice3A_40 : vector<1024x1x128xi1>, vector<1024x1x128xf32>
    %select_n3A_49 = arith.select %or3A_47, %slice3A_41, %slice3A_42 : vector<1024x1x128xi1>, vector<1024x1x128xi32>
    %reshape3A_50 = vector.shape_cast %select_n3A_48 : vector<1024x1x128xf32> to vector<1x1024x128xf32>
    %swap3A_51 = arith.constant 0 : index
    %swap3A_52 = arith.constant 0 : index
    %swap3A_53 = arith.constant 0 : index
    %swap3A_54 = vector.load %arg5[%swap3A_51, %swap3A_52, %swap3A_53] : memref<1x1024x128xf32, #tpu.memory_space<vmem>>, vector<1x1024x128xf32>
    tpu.vector_store %arg5[%swap3A_51, %swap3A_52, %swap3A_53], %reshape3A_50 {strides = array<i32>} : memref<1x1024x128xf32, #tpu.memory_space<vmem>>, vector<1x1024x128xf32>,
    %reshape3A_55 = vector.shape_cast %select_n3A_49 : vector<1024x1x128xi32> to vector<1x1024x128xi32>
    %swap3A_56 = arith.constant 0 : index
    %swap3A_57 = arith.constant 0 : index
    %swap3A_58 = arith.constant 0 : index
    %swap3A_59 = vector.load %arg6[%swap3A_56, %swap3A_57, %swap3A_58] : memref<1x1024x128xi32, #tpu.memory_space<vmem>>, vector<1x1024x128xi32>
    tpu.vector_store %arg6[%swap3A_56, %swap3A_57, %swap3A_58], %reshape3A_55 {strides = array<i32>} : memref<1x1024x128xi32, #tpu.memory_space<vmem>>, vector<1x1024x128xi32>,
    return
  }
  func.func @transform_0(%arg0: i32) -> (i32, i32) {
    %c0_i32 = arith.constant 0 : i32
    %c0_i32_0 = arith.constant 0 : i32
    %c0_i32_1 = arith.constant 0 : i32
    return %c0_i32, %c0_i32_0 : i32, i32
  }
  func.func @transform_1(%arg0: i32) -> (i32, i32) {
    %c0_i32 = arith.constant 0 : i32
    %c0_i32_0 = arith.constant 0 : i32
    %c0_i32_1 = arith.constant 0 : i32
    return %c0_i32, %c0_i32_0 : i32, i32
  }
  func.func @transform_2(%arg0: i32) -> (i32, i32) {
    %c0_i32 = arith.constant 0 : i32
    %c0_i32_0 = arith.constant 0 : i32
    %c0_i32_1 = arith.constant 0 : i32
    return %c0_i32, %c0_i32_0 : i32, i32
  }
  func.func @transform_3(%arg0: i32) -> (i32, i32) {
    %c0_i32 = arith.constant 0 : i32
    %c0_i32_0 = arith.constant 0 : i32
    return %arg0, %c0_i32 : i32, i32
  }
  func.func @transform_4(%arg0: i32) -> (i32, i32, i32) {
    %c0_i32 = arith.constant 0 : i32
    %c0_i32_0 = arith.constant 0 : i32
    %c0_i32_1 = arith.constant 0 : i32
    return %arg0, %c0_i32, %c0_i32_0 : i32, i32, i32
  }
  func.func @transform_5(%arg0: i32) -> (i32, i32, i32) {
    %c0_i32 = arith.constant 0 : i32
    %c0_i32_0 = arith.constant 0 : i32
    %c0_i32_1 = arith.constant 0 : i32
    return %arg0, %c0_i32, %c0_i32_0 : i32, i32, i32
  }
  func.func @transform_6(%arg0: i32) -> (i32, i32, i32) {
    %c0_i32 = arith.constant 0 : i32
    %c0_i32_0 = arith.constant 0 : i32
    %c0_i32_1 = arith.constant 0 : i32
    return %arg0, %c0_i32, %c0_i32_0 : i32, i32, i32
  }
}

module attributes {stable_mosaic.version = 14 : i64} {
  func.func @_gtop_body(%arg0: i32, %arg1: memref<98x64x128xf32, #tpu.memory_space<vmem>>, %arg2: memref<98x64x128xi32, #tpu.memory_space<vmem>>, %arg3: memref<64x16xi32, #tpu.memory_space<vmem>>) attributes {dimension_semantics = [#tpu.dimension_semantics<arbitrary>], iteration_bounds = array<i64: 16>, scalar_prefetch = 0 : i64, scratch_operands = 0 : i64, tpu.core_type = #tpu.core_type<tc>, window_params = [{transform_indices = @transform_0, window_bounds = array<i64: 98, 64, 128>}, {transform_indices = @transform_1, window_bounds = array<i64: 98, 64, 128>}, {transform_indices = @transform_2, window_bounds = array<i64: 64, 16>}]} {
    %get3A = arith.constant 0 : index
    %get3A_0 = arith.constant 0 : index
    %get3A_1 = arith.constant 0 : index
    %get3A_2 = vector.load %arg1[%get3A, %get3A_0, %get3A_1] : memref<98x64x128xf32, #tpu.memory_space<vmem>>, vector<98x64x128xf32>
    %get3A_3 = arith.constant 0 : index
    %get3A_4 = arith.constant 0 : index
    %get3A_5 = arith.constant 0 : index
    %get3A_6 = vector.load %arg2[%get3A_3, %get3A_4, %get3A_5] : memref<98x64x128xi32, #tpu.memory_space<vmem>>, vector<98x64x128xi32>
    %reduce_max3A = arith.constant dense<0xFF800000> : vector<98x64xf32>
    %reduce_max3A_7 = vector.multi_reduction <maximumf>, %get3A_2, %reduce_max3A [2] : vector<98x64x128xf32> to vector<98x64xf32>
    %broadcast_in_dim3A = vector.shape_cast %reduce_max3A_7 : vector<98x64xf32> to vector<98x64x1xf32>
    %reduce_max3A_8 = arith.constant dense<0xFF800000> : vector<64x1xf32>
    %reduce_max3A_9 = vector.multi_reduction <maximumf>, %broadcast_in_dim3A, %reduce_max3A_8 [0] : vector<98x64x1xf32> to vector<64x1xf32>
    %broadcast_in_dim3A_10 = vector.shape_cast %reduce_max3A_9 : vector<64x1xf32> to vector<1x64x1xf32>
    %eq3A = vector.broadcast %broadcast_in_dim3A_10 : vector<1x64x1xf32> to vector<98x64x128xf32>
    %eq3A_11 = arith.cmpf oeq, %get3A_2, %eq3A : vector<98x64x128xf32>
    %jit3A = arith.constant 2147483647 : i32
    %broadcast_in_dim3A_12 = vector.broadcast %jit3A : i32 to vector<98x64x128xi32>
    %select_n3A = arith.select %eq3A_11, %get3A_6, %broadcast_in_dim3A_12 : vector<98x64x128xi1>, vector<98x64x128xi32>
    %reduce_min3A = arith.constant dense<2147483647> : vector<98x64xi32>
    %reduce_min3A_13 = vector.multi_reduction <minsi>, %select_n3A, %reduce_min3A [2] : vector<98x64x128xi32> to vector<98x64xi32>
    %broadcast_in_dim3A_14 = vector.shape_cast %reduce_min3A_13 : vector<98x64xi32> to vector<98x64x1xi32>
    %reduce_min3A_15 = arith.constant dense<2147483647> : vector<64x1xi32>
    %reduce_min3A_16 = vector.multi_reduction <minsi>, %broadcast_in_dim3A_14, %reduce_min3A_15 [0] : vector<98x64x1xi32> to vector<64x1xi32>
    %broadcast_in_dim3A_17 = vector.shape_cast %reduce_min3A_16 : vector<64x1xi32> to vector<1x64x1xi32>
    %reshape3A = vector.shape_cast %broadcast_in_dim3A_17 : vector<1x64x1xi32> to vector<64x1xi32>
    %eq3A_18 = vector.broadcast %broadcast_in_dim3A_17 : vector<1x64x1xi32> to vector<98x64x128xi32>
    %eq3A_19 = arith.cmpi eq, %select_n3A, %eq3A_18 : vector<98x64x128xi32>
    %jit3A_20 = arith.constant 0xFF800000 : f32
    %broadcast_in_dim3A_21 = vector.broadcast %jit3A_20 : f32 to vector<98x64x128xf32>
    %select_n3A_22 = arith.select %eq3A_19, %broadcast_in_dim3A_21, %get3A_2 : vector<98x64x128xi1>, vector<98x64x128xf32>
    %reduce_max3A_23 = arith.constant dense<0xFF800000> : vector<98x64xf32>
    %reduce_max3A_24 = vector.multi_reduction <maximumf>, %select_n3A_22, %reduce_max3A_23 [2] : vector<98x64x128xf32> to vector<98x64xf32>
    %broadcast_in_dim3A_25 = vector.shape_cast %reduce_max3A_24 : vector<98x64xf32> to vector<98x64x1xf32>
    %reduce_max3A_26 = arith.constant dense<0xFF800000> : vector<64x1xf32>
    %reduce_max3A_27 = vector.multi_reduction <maximumf>, %broadcast_in_dim3A_25, %reduce_max3A_26 [0] : vector<98x64x1xf32> to vector<64x1xf32>
    %broadcast_in_dim3A_28 = vector.shape_cast %reduce_max3A_27 : vector<64x1xf32> to vector<1x64x1xf32>
    %eq3A_29 = vector.broadcast %broadcast_in_dim3A_28 : vector<1x64x1xf32> to vector<98x64x128xf32>
    %eq3A_30 = arith.cmpf oeq, %select_n3A_22, %eq3A_29 : vector<98x64x128xf32>
    %jit3A_31 = arith.constant 2147483647 : i32
    %broadcast_in_dim3A_32 = vector.broadcast %jit3A_31 : i32 to vector<98x64x128xi32>
    %select_n3A_33 = arith.select %eq3A_30, %get3A_6, %broadcast_in_dim3A_32 : vector<98x64x128xi1>, vector<98x64x128xi32>
    %reduce_min3A_34 = arith.constant dense<2147483647> : vector<98x64xi32>
    %reduce_min3A_35 = vector.multi_reduction <minsi>, %select_n3A_33, %reduce_min3A_34 [2] : vector<98x64x128xi32> to vector<98x64xi32>
    %broadcast_in_dim3A_36 = vector.shape_cast %reduce_min3A_35 : vector<98x64xi32> to vector<98x64x1xi32>
    %reduce_min3A_37 = arith.constant dense<2147483647> : vector<64x1xi32>
    %reduce_min3A_38 = vector.multi_reduction <minsi>, %broadcast_in_dim3A_36, %reduce_min3A_37 [0] : vector<98x64x1xi32> to vector<64x1xi32>
    %broadcast_in_dim3A_39 = vector.shape_cast %reduce_min3A_38 : vector<64x1xi32> to vector<1x64x1xi32>
    %reshape3A_40 = vector.shape_cast %broadcast_in_dim3A_39 : vector<1x64x1xi32> to vector<64x1xi32>
    %eq3A_41 = vector.broadcast %broadcast_in_dim3A_39 : vector<1x64x1xi32> to vector<98x64x128xi32>
    %eq3A_42 = arith.cmpi eq, %select_n3A_33, %eq3A_41 : vector<98x64x128xi32>
    %jit3A_43 = arith.constant 0xFF800000 : f32
    %broadcast_in_dim3A_44 = vector.broadcast %jit3A_43 : f32 to vector<98x64x128xf32>
    %select_n3A_45 = arith.select %eq3A_42, %broadcast_in_dim3A_44, %select_n3A_22 : vector<98x64x128xi1>, vector<98x64x128xf32>
    %reduce_max3A_46 = arith.constant dense<0xFF800000> : vector<98x64xf32>
    %reduce_max3A_47 = vector.multi_reduction <maximumf>, %select_n3A_45, %reduce_max3A_46 [2] : vector<98x64x128xf32> to vector<98x64xf32>
    %broadcast_in_dim3A_48 = vector.shape_cast %reduce_max3A_47 : vector<98x64xf32> to vector<98x64x1xf32>
    %reduce_max3A_49 = arith.constant dense<0xFF800000> : vector<64x1xf32>
    %reduce_max3A_50 = vector.multi_reduction <maximumf>, %broadcast_in_dim3A_48, %reduce_max3A_49 [0] : vector<98x64x1xf32> to vector<64x1xf32>
    %broadcast_in_dim3A_51 = vector.shape_cast %reduce_max3A_50 : vector<64x1xf32> to vector<1x64x1xf32>
    %eq3A_52 = vector.broadcast %broadcast_in_dim3A_51 : vector<1x64x1xf32> to vector<98x64x128xf32>
    %eq3A_53 = arith.cmpf oeq, %select_n3A_45, %eq3A_52 : vector<98x64x128xf32>
    %jit3A_54 = arith.constant 2147483647 : i32
    %broadcast_in_dim3A_55 = vector.broadcast %jit3A_54 : i32 to vector<98x64x128xi32>
    %select_n3A_56 = arith.select %eq3A_53, %get3A_6, %broadcast_in_dim3A_55 : vector<98x64x128xi1>, vector<98x64x128xi32>
    %reduce_min3A_57 = arith.constant dense<2147483647> : vector<98x64xi32>
    %reduce_min3A_58 = vector.multi_reduction <minsi>, %select_n3A_56, %reduce_min3A_57 [2] : vector<98x64x128xi32> to vector<98x64xi32>
    %broadcast_in_dim3A_59 = vector.shape_cast %reduce_min3A_58 : vector<98x64xi32> to vector<98x64x1xi32>
    %reduce_min3A_60 = arith.constant dense<2147483647> : vector<64x1xi32>
    %reduce_min3A_61 = vector.multi_reduction <minsi>, %broadcast_in_dim3A_59, %reduce_min3A_60 [0] : vector<98x64x1xi32> to vector<64x1xi32>
    %broadcast_in_dim3A_62 = vector.shape_cast %reduce_min3A_61 : vector<64x1xi32> to vector<1x64x1xi32>
    %reshape3A_63 = vector.shape_cast %broadcast_in_dim3A_62 : vector<1x64x1xi32> to vector<64x1xi32>
    %eq3A_64 = vector.broadcast %broadcast_in_dim3A_62 : vector<1x64x1xi32> to vector<98x64x128xi32>
    %eq3A_65 = arith.cmpi eq, %select_n3A_56, %eq3A_64 : vector<98x64x128xi32>
    %jit3A_66 = arith.constant 0xFF800000 : f32
    %broadcast_in_dim3A_67 = vector.broadcast %jit3A_66 : f32 to vector<98x64x128xf32>
    %select_n3A_68 = arith.select %eq3A_65, %broadcast_in_dim3A_67, %select_n3A_45 : vector<98x64x128xi1>, vector<98x64x128xf32>
    %reduce_max3A_69 = arith.constant dense<0xFF800000> : vector<98x64xf32>
    %reduce_max3A_70 = vector.multi_reduction <maximumf>, %select_n3A_68, %reduce_max3A_69 [2] : vector<98x64x128xf32> to vector<98x64xf32>
    %broadcast_in_dim3A_71 = vector.shape_cast %reduce_max3A_70 : vector<98x64xf32> to vector<98x64x1xf32>
    %reduce_max3A_72 = arith.constant dense<0xFF800000> : vector<64x1xf32>
    %reduce_max3A_73 = vector.multi_reduction <maximumf>, %broadcast_in_dim3A_71, %reduce_max3A_72 [0] : vector<98x64x1xf32> to vector<64x1xf32>
    %broadcast_in_dim3A_74 = vector.shape_cast %reduce_max3A_73 : vector<64x1xf32> to vector<1x64x1xf32>
    %eq3A_75 = vector.broadcast %broadcast_in_dim3A_74 : vector<1x64x1xf32> to vector<98x64x128xf32>
    %eq3A_76 = arith.cmpf oeq, %select_n3A_68, %eq3A_75 : vector<98x64x128xf32>
    %jit3A_77 = arith.constant 2147483647 : i32
    %broadcast_in_dim3A_78 = vector.broadcast %jit3A_77 : i32 to vector<98x64x128xi32>
    %select_n3A_79 = arith.select %eq3A_76, %get3A_6, %broadcast_in_dim3A_78 : vector<98x64x128xi1>, vector<98x64x128xi32>
    %reduce_min3A_80 = arith.constant dense<2147483647> : vector<98x64xi32>
    %reduce_min3A_81 = vector.multi_reduction <minsi>, %select_n3A_79, %reduce_min3A_80 [2] : vector<98x64x128xi32> to vector<98x64xi32>
    %broadcast_in_dim3A_82 = vector.shape_cast %reduce_min3A_81 : vector<98x64xi32> to vector<98x64x1xi32>
    %reduce_min3A_83 = arith.constant dense<2147483647> : vector<64x1xi32>
    %reduce_min3A_84 = vector.multi_reduction <minsi>, %broadcast_in_dim3A_82, %reduce_min3A_83 [0] : vector<98x64x1xi32> to vector<64x1xi32>
    %broadcast_in_dim3A_85 = vector.shape_cast %reduce_min3A_84 : vector<64x1xi32> to vector<1x64x1xi32>
    %reshape3A_86 = vector.shape_cast %broadcast_in_dim3A_85 : vector<1x64x1xi32> to vector<64x1xi32>
    %eq3A_87 = vector.broadcast %broadcast_in_dim3A_85 : vector<1x64x1xi32> to vector<98x64x128xi32>
    %eq3A_88 = arith.cmpi eq, %select_n3A_79, %eq3A_87 : vector<98x64x128xi32>
    %jit3A_89 = arith.constant 0xFF800000 : f32
    %broadcast_in_dim3A_90 = vector.broadcast %jit3A_89 : f32 to vector<98x64x128xf32>
    %select_n3A_91 = arith.select %eq3A_88, %broadcast_in_dim3A_90, %select_n3A_68 : vector<98x64x128xi1>, vector<98x64x128xf32>
    %reduce_max3A_92 = arith.constant dense<0xFF800000> : vector<98x64xf32>
    %reduce_max3A_93 = vector.multi_reduction <maximumf>, %select_n3A_91, %reduce_max3A_92 [2] : vector<98x64x128xf32> to vector<98x64xf32>
    %broadcast_in_dim3A_94 = vector.shape_cast %reduce_max3A_93 : vector<98x64xf32> to vector<98x64x1xf32>
    %reduce_max3A_95 = arith.constant dense<0xFF800000> : vector<64x1xf32>
    %reduce_max3A_96 = vector.multi_reduction <maximumf>, %broadcast_in_dim3A_94, %reduce_max3A_95 [0] : vector<98x64x1xf32> to vector<64x1xf32>
    %broadcast_in_dim3A_97 = vector.shape_cast %reduce_max3A_96 : vector<64x1xf32> to vector<1x64x1xf32>
    %eq3A_98 = vector.broadcast %broadcast_in_dim3A_97 : vector<1x64x1xf32> to vector<98x64x128xf32>
    %eq3A_99 = arith.cmpf oeq, %select_n3A_91, %eq3A_98 : vector<98x64x128xf32>
    %jit3A_100 = arith.constant 2147483647 : i32
    %broadcast_in_dim3A_101 = vector.broadcast %jit3A_100 : i32 to vector<98x64x128xi32>
    %select_n3A_102 = arith.select %eq3A_99, %get3A_6, %broadcast_in_dim3A_101 : vector<98x64x128xi1>, vector<98x64x128xi32>
    %reduce_min3A_103 = arith.constant dense<2147483647> : vector<98x64xi32>
    %reduce_min3A_104 = vector.multi_reduction <minsi>, %select_n3A_102, %reduce_min3A_103 [2] : vector<98x64x128xi32> to vector<98x64xi32>
    %broadcast_in_dim3A_105 = vector.shape_cast %reduce_min3A_104 : vector<98x64xi32> to vector<98x64x1xi32>
    %reduce_min3A_106 = arith.constant dense<2147483647> : vector<64x1xi32>
    %reduce_min3A_107 = vector.multi_reduction <minsi>, %broadcast_in_dim3A_105, %reduce_min3A_106 [0] : vector<98x64x1xi32> to vector<64x1xi32>
    %broadcast_in_dim3A_108 = vector.shape_cast %reduce_min3A_107 : vector<64x1xi32> to vector<1x64x1xi32>
    %reshape3A_109 = vector.shape_cast %broadcast_in_dim3A_108 : vector<1x64x1xi32> to vector<64x1xi32>
    %eq3A_110 = vector.broadcast %broadcast_in_dim3A_108 : vector<1x64x1xi32> to vector<98x64x128xi32>
    %eq3A_111 = arith.cmpi eq, %select_n3A_102, %eq3A_110 : vector<98x64x128xi32>
    %jit3A_112 = arith.constant 0xFF800000 : f32
    %broadcast_in_dim3A_113 = vector.broadcast %jit3A_112 : f32 to vector<98x64x128xf32>
    %select_n3A_114 = arith.select %eq3A_111, %broadcast_in_dim3A_113, %select_n3A_91 : vector<98x64x128xi1>, vector<98x64x128xf32>
    %reduce_max3A_115 = arith.constant dense<0xFF800000> : vector<98x64xf32>
    %reduce_max3A_116 = vector.multi_reduction <maximumf>, %select_n3A_114, %reduce_max3A_115 [2] : vector<98x64x128xf32> to vector<98x64xf32>
    %broadcast_in_dim3A_117 = vector.shape_cast %reduce_max3A_116 : vector<98x64xf32> to vector<98x64x1xf32>
    %reduce_max3A_118 = arith.constant dense<0xFF800000> : vector<64x1xf32>
    %reduce_max3A_119 = vector.multi_reduction <maximumf>, %broadcast_in_dim3A_117, %reduce_max3A_118 [0] : vector<98x64x1xf32> to vector<64x1xf32>
    %broadcast_in_dim3A_120 = vector.shape_cast %reduce_max3A_119 : vector<64x1xf32> to vector<1x64x1xf32>
    %eq3A_121 = vector.broadcast %broadcast_in_dim3A_120 : vector<1x64x1xf32> to vector<98x64x128xf32>
    %eq3A_122 = arith.cmpf oeq, %select_n3A_114, %eq3A_121 : vector<98x64x128xf32>
    %jit3A_123 = arith.constant 2147483647 : i32
    %broadcast_in_dim3A_124 = vector.broadcast %jit3A_123 : i32 to vector<98x64x128xi32>
    %select_n3A_125 = arith.select %eq3A_122, %get3A_6, %broadcast_in_dim3A_124 : vector<98x64x128xi1>, vector<98x64x128xi32>
    %reduce_min3A_126 = arith.constant dense<2147483647> : vector<98x64xi32>
    %reduce_min3A_127 = vector.multi_reduction <minsi>, %select_n3A_125, %reduce_min3A_126 [2] : vector<98x64x128xi32> to vector<98x64xi32>
    %broadcast_in_dim3A_128 = vector.shape_cast %reduce_min3A_127 : vector<98x64xi32> to vector<98x64x1xi32>
    %reduce_min3A_129 = arith.constant dense<2147483647> : vector<64x1xi32>
    %reduce_min3A_130 = vector.multi_reduction <minsi>, %broadcast_in_dim3A_128, %reduce_min3A_129 [0] : vector<98x64x1xi32> to vector<64x1xi32>
    %broadcast_in_dim3A_131 = vector.shape_cast %reduce_min3A_130 : vector<64x1xi32> to vector<1x64x1xi32>
    %reshape3A_132 = vector.shape_cast %broadcast_in_dim3A_131 : vector<1x64x1xi32> to vector<64x1xi32>
    %eq3A_133 = vector.broadcast %broadcast_in_dim3A_131 : vector<1x64x1xi32> to vector<98x64x128xi32>
    %eq3A_134 = arith.cmpi eq, %select_n3A_125, %eq3A_133 : vector<98x64x128xi32>
    %jit3A_135 = arith.constant 0xFF800000 : f32
    %broadcast_in_dim3A_136 = vector.broadcast %jit3A_135 : f32 to vector<98x64x128xf32>
    %select_n3A_137 = arith.select %eq3A_134, %broadcast_in_dim3A_136, %select_n3A_114 : vector<98x64x128xi1>, vector<98x64x128xf32>
    %reduce_max3A_138 = arith.constant dense<0xFF800000> : vector<98x64xf32>
    %reduce_max3A_139 = vector.multi_reduction <maximumf>, %select_n3A_137, %reduce_max3A_138 [2] : vector<98x64x128xf32> to vector<98x64xf32>
    %broadcast_in_dim3A_140 = vector.shape_cast %reduce_max3A_139 : vector<98x64xf32> to vector<98x64x1xf32>
    %reduce_max3A_141 = arith.constant dense<0xFF800000> : vector<64x1xf32>
    %reduce_max3A_142 = vector.multi_reduction <maximumf>, %broadcast_in_dim3A_140, %reduce_max3A_141 [0] : vector<98x64x1xf32> to vector<64x1xf32>
    %broadcast_in_dim3A_143 = vector.shape_cast %reduce_max3A_142 : vector<64x1xf32> to vector<1x64x1xf32>
    %eq3A_144 = vector.broadcast %broadcast_in_dim3A_143 : vector<1x64x1xf32> to vector<98x64x128xf32>
    %eq3A_145 = arith.cmpf oeq, %select_n3A_137, %eq3A_144 : vector<98x64x128xf32>
    %jit3A_146 = arith.constant 2147483647 : i32
    %broadcast_in_dim3A_147 = vector.broadcast %jit3A_146 : i32 to vector<98x64x128xi32>
    %select_n3A_148 = arith.select %eq3A_145, %get3A_6, %broadcast_in_dim3A_147 : vector<98x64x128xi1>, vector<98x64x128xi32>
    %reduce_min3A_149 = arith.constant dense<2147483647> : vector<98x64xi32>
    %reduce_min3A_150 = vector.multi_reduction <minsi>, %select_n3A_148, %reduce_min3A_149 [2] : vector<98x64x128xi32> to vector<98x64xi32>
    %broadcast_in_dim3A_151 = vector.shape_cast %reduce_min3A_150 : vector<98x64xi32> to vector<98x64x1xi32>
    %reduce_min3A_152 = arith.constant dense<2147483647> : vector<64x1xi32>
    %reduce_min3A_153 = vector.multi_reduction <minsi>, %broadcast_in_dim3A_151, %reduce_min3A_152 [0] : vector<98x64x1xi32> to vector<64x1xi32>
    %broadcast_in_dim3A_154 = vector.shape_cast %reduce_min3A_153 : vector<64x1xi32> to vector<1x64x1xi32>
    %reshape3A_155 = vector.shape_cast %broadcast_in_dim3A_154 : vector<1x64x1xi32> to vector<64x1xi32>
    %eq3A_156 = vector.broadcast %broadcast_in_dim3A_154 : vector<1x64x1xi32> to vector<98x64x128xi32>
    %eq3A_157 = arith.cmpi eq, %select_n3A_148, %eq3A_156 : vector<98x64x128xi32>
    %jit3A_158 = arith.constant 0xFF800000 : f32
    %broadcast_in_dim3A_159 = vector.broadcast %jit3A_158 : f32 to vector<98x64x128xf32>
    %select_n3A_160 = arith.select %eq3A_157, %broadcast_in_dim3A_159, %select_n3A_137 : vector<98x64x128xi1>, vector<98x64x128xf32>
    %reduce_max3A_161 = arith.constant dense<0xFF800000> : vector<98x64xf32>
    %reduce_max3A_162 = vector.multi_reduction <maximumf>, %select_n3A_160, %reduce_max3A_161 [2] : vector<98x64x128xf32> to vector<98x64xf32>
    %broadcast_in_dim3A_163 = vector.shape_cast %reduce_max3A_162 : vector<98x64xf32> to vector<98x64x1xf32>
    %reduce_max3A_164 = arith.constant dense<0xFF800000> : vector<64x1xf32>
    %reduce_max3A_165 = vector.multi_reduction <maximumf>, %broadcast_in_dim3A_163, %reduce_max3A_164 [0] : vector<98x64x1xf32> to vector<64x1xf32>
    %broadcast_in_dim3A_166 = vector.shape_cast %reduce_max3A_165 : vector<64x1xf32> to vector<1x64x1xf32>
    %eq3A_167 = vector.broadcast %broadcast_in_dim3A_166 : vector<1x64x1xf32> to vector<98x64x128xf32>
    %eq3A_168 = arith.cmpf oeq, %select_n3A_160, %eq3A_167 : vector<98x64x128xf32>
    %jit3A_169 = arith.constant 2147483647 : i32
    %broadcast_in_dim3A_170 = vector.broadcast %jit3A_169 : i32 to vector<98x64x128xi32>
    %select_n3A_171 = arith.select %eq3A_168, %get3A_6, %broadcast_in_dim3A_170 : vector<98x64x128xi1>, vector<98x64x128xi32>
    %reduce_min3A_172 = arith.constant dense<2147483647> : vector<98x64xi32>
    %reduce_min3A_173 = vector.multi_reduction <minsi>, %select_n3A_171, %reduce_min3A_172 [2] : vector<98x64x128xi32> to vector<98x64xi32>
    %broadcast_in_dim3A_174 = vector.shape_cast %reduce_min3A_173 : vector<98x64xi32> to vector<98x64x1xi32>
    %reduce_min3A_175 = arith.constant dense<2147483647> : vector<64x1xi32>
    %reduce_min3A_176 = vector.multi_reduction <minsi>, %broadcast_in_dim3A_174, %reduce_min3A_175 [0] : vector<98x64x1xi32> to vector<64x1xi32>
    %broadcast_in_dim3A_177 = vector.shape_cast %reduce_min3A_176 : vector<64x1xi32> to vector<1x64x1xi32>
    %reshape3A_178 = vector.shape_cast %broadcast_in_dim3A_177 : vector<1x64x1xi32> to vector<64x1xi32>
    %eq3A_179 = vector.broadcast %broadcast_in_dim3A_177 : vector<1x64x1xi32> to vector<98x64x128xi32>
    %eq3A_180 = arith.cmpi eq, %select_n3A_171, %eq3A_179 : vector<98x64x128xi32>
    %jit3A_181 = arith.constant 0xFF800000 : f32
    %broadcast_in_dim3A_182 = vector.broadcast %jit3A_181 : f32 to vector<98x64x128xf32>
    %select_n3A_183 = arith.select %eq3A_180, %broadcast_in_dim3A_182, %select_n3A_160 : vector<98x64x128xi1>, vector<98x64x128xf32>
    %reduce_max3A_184 = arith.constant dense<0xFF800000> : vector<98x64xf32>
    %reduce_max3A_185 = vector.multi_reduction <maximumf>, %select_n3A_183, %reduce_max3A_184 [2] : vector<98x64x128xf32> to vector<98x64xf32>
    %broadcast_in_dim3A_186 = vector.shape_cast %reduce_max3A_185 : vector<98x64xf32> to vector<98x64x1xf32>
    %reduce_max3A_187 = arith.constant dense<0xFF800000> : vector<64x1xf32>
    %reduce_max3A_188 = vector.multi_reduction <maximumf>, %broadcast_in_dim3A_186, %reduce_max3A_187 [0] : vector<98x64x1xf32> to vector<64x1xf32>
    %broadcast_in_dim3A_189 = vector.shape_cast %reduce_max3A_188 : vector<64x1xf32> to vector<1x64x1xf32>
    %eq3A_190 = vector.broadcast %broadcast_in_dim3A_189 : vector<1x64x1xf32> to vector<98x64x128xf32>
    %eq3A_191 = arith.cmpf oeq, %select_n3A_183, %eq3A_190 : vector<98x64x128xf32>
    %jit3A_192 = arith.constant 2147483647 : i32
    %broadcast_in_dim3A_193 = vector.broadcast %jit3A_192 : i32 to vector<98x64x128xi32>
    %select_n3A_194 = arith.select %eq3A_191, %get3A_6, %broadcast_in_dim3A_193 : vector<98x64x128xi1>, vector<98x64x128xi32>
    %reduce_min3A_195 = arith.constant dense<2147483647> : vector<98x64xi32>
    %reduce_min3A_196 = vector.multi_reduction <minsi>, %select_n3A_194, %reduce_min3A_195 [2] : vector<98x64x128xi32> to vector<98x64xi32>
    %broadcast_in_dim3A_197 = vector.shape_cast %reduce_min3A_196 : vector<98x64xi32> to vector<98x64x1xi32>
    %reduce_min3A_198 = arith.constant dense<2147483647> : vector<64x1xi32>
    %reduce_min3A_199 = vector.multi_reduction <minsi>, %broadcast_in_dim3A_197, %reduce_min3A_198 [0] : vector<98x64x1xi32> to vector<64x1xi32>
    %broadcast_in_dim3A_200 = vector.shape_cast %reduce_min3A_199 : vector<64x1xi32> to vector<1x64x1xi32>
    %reshape3A_201 = vector.shape_cast %broadcast_in_dim3A_200 : vector<1x64x1xi32> to vector<64x1xi32>
    %eq3A_202 = vector.broadcast %broadcast_in_dim3A_200 : vector<1x64x1xi32> to vector<98x64x128xi32>
    %eq3A_203 = arith.cmpi eq, %select_n3A_194, %eq3A_202 : vector<98x64x128xi32>
    %jit3A_204 = arith.constant 0xFF800000 : f32
    %broadcast_in_dim3A_205 = vector.broadcast %jit3A_204 : f32 to vector<98x64x128xf32>
    %select_n3A_206 = arith.select %eq3A_203, %broadcast_in_dim3A_205, %select_n3A_183 : vector<98x64x128xi1>, vector<98x64x128xf32>
    %reduce_max3A_207 = arith.constant dense<0xFF800000> : vector<98x64xf32>
    %reduce_max3A_208 = vector.multi_reduction <maximumf>, %select_n3A_206, %reduce_max3A_207 [2] : vector<98x64x128xf32> to vector<98x64xf32>
    %broadcast_in_dim3A_209 = vector.shape_cast %reduce_max3A_208 : vector<98x64xf32> to vector<98x64x1xf32>
    %reduce_max3A_210 = arith.constant dense<0xFF800000> : vector<64x1xf32>
    %reduce_max3A_211 = vector.multi_reduction <maximumf>, %broadcast_in_dim3A_209, %reduce_max3A_210 [0] : vector<98x64x1xf32> to vector<64x1xf32>
    %broadcast_in_dim3A_212 = vector.shape_cast %reduce_max3A_211 : vector<64x1xf32> to vector<1x64x1xf32>
    %eq3A_213 = vector.broadcast %broadcast_in_dim3A_212 : vector<1x64x1xf32> to vector<98x64x128xf32>
    %eq3A_214 = arith.cmpf oeq, %select_n3A_206, %eq3A_213 : vector<98x64x128xf32>
    %jit3A_215 = arith.constant 2147483647 : i32
    %broadcast_in_dim3A_216 = vector.broadcast %jit3A_215 : i32 to vector<98x64x128xi32>
    %select_n3A_217 = arith.select %eq3A_214, %get3A_6, %broadcast_in_dim3A_216 : vector<98x64x128xi1>, vector<98x64x128xi32>
    %reduce_min3A_218 = arith.constant dense<2147483647> : vector<98x64xi32>
    %reduce_min3A_219 = vector.multi_reduction <minsi>, %select_n3A_217, %reduce_min3A_218 [2] : vector<98x64x128xi32> to vector<98x64xi32>
    %broadcast_in_dim3A_220 = vector.shape_cast %reduce_min3A_219 : vector<98x64xi32> to vector<98x64x1xi32>
    %reduce_min3A_221 = arith.constant dense<2147483647> : vector<64x1xi32>
    %reduce_min3A_222 = vector.multi_reduction <minsi>, %broadcast_in_dim3A_220, %reduce_min3A_221 [0] : vector<98x64x1xi32> to vector<64x1xi32>
    %broadcast_in_dim3A_223 = vector.shape_cast %reduce_min3A_222 : vector<64x1xi32> to vector<1x64x1xi32>
    %reshape3A_224 = vector.shape_cast %broadcast_in_dim3A_223 : vector<1x64x1xi32> to vector<64x1xi32>
    %eq3A_225 = vector.broadcast %broadcast_in_dim3A_223 : vector<1x64x1xi32> to vector<98x64x128xi32>
    %eq3A_226 = arith.cmpi eq, %select_n3A_217, %eq3A_225 : vector<98x64x128xi32>
    %jit3A_227 = arith.constant 0xFF800000 : f32
    %broadcast_in_dim3A_228 = vector.broadcast %jit3A_227 : f32 to vector<98x64x128xf32>
    %select_n3A_229 = arith.select %eq3A_226, %broadcast_in_dim3A_228, %select_n3A_206 : vector<98x64x128xi1>, vector<98x64x128xf32>
    %reduce_max3A_230 = arith.constant dense<0xFF800000> : vector<98x64xf32>
    %reduce_max3A_231 = vector.multi_reduction <maximumf>, %select_n3A_229, %reduce_max3A_230 [2] : vector<98x64x128xf32> to vector<98x64xf32>
    %broadcast_in_dim3A_232 = vector.shape_cast %reduce_max3A_231 : vector<98x64xf32> to vector<98x64x1xf32>
    %reduce_max3A_233 = arith.constant dense<0xFF800000> : vector<64x1xf32>
    %reduce_max3A_234 = vector.multi_reduction <maximumf>, %broadcast_in_dim3A_232, %reduce_max3A_233 [0] : vector<98x64x1xf32> to vector<64x1xf32>
    %broadcast_in_dim3A_235 = vector.shape_cast %reduce_max3A_234 : vector<64x1xf32> to vector<1x64x1xf32>
    %eq3A_236 = vector.broadcast %broadcast_in_dim3A_235 : vector<1x64x1xf32> to vector<98x64x128xf32>
    %eq3A_237 = arith.cmpf oeq, %select_n3A_229, %eq3A_236 : vector<98x64x128xf32>
    %jit3A_238 = arith.constant 2147483647 : i32
    %broadcast_in_dim3A_239 = vector.broadcast %jit3A_238 : i32 to vector<98x64x128xi32>
    %select_n3A_240 = arith.select %eq3A_237, %get3A_6, %broadcast_in_dim3A_239 : vector<98x64x128xi1>, vector<98x64x128xi32>
    %reduce_min3A_241 = arith.constant dense<2147483647> : vector<98x64xi32>
    %reduce_min3A_242 = vector.multi_reduction <minsi>, %select_n3A_240, %reduce_min3A_241 [2] : vector<98x64x128xi32> to vector<98x64xi32>
    %broadcast_in_dim3A_243 = vector.shape_cast %reduce_min3A_242 : vector<98x64xi32> to vector<98x64x1xi32>
    %reduce_min3A_244 = arith.constant dense<2147483647> : vector<64x1xi32>
    %reduce_min3A_245 = vector.multi_reduction <minsi>, %broadcast_in_dim3A_243, %reduce_min3A_244 [0] : vector<98x64x1xi32> to vector<64x1xi32>
    %broadcast_in_dim3A_246 = vector.shape_cast %reduce_min3A_245 : vector<64x1xi32> to vector<1x64x1xi32>
    %reshape3A_247 = vector.shape_cast %broadcast_in_dim3A_246 : vector<1x64x1xi32> to vector<64x1xi32>
    %eq3A_248 = vector.broadcast %broadcast_in_dim3A_246 : vector<1x64x1xi32> to vector<98x64x128xi32>
    %eq3A_249 = arith.cmpi eq, %select_n3A_240, %eq3A_248 : vector<98x64x128xi32>
    %jit3A_250 = arith.constant 0xFF800000 : f32
    %broadcast_in_dim3A_251 = vector.broadcast %jit3A_250 : f32 to vector<98x64x128xf32>
    %select_n3A_252 = arith.select %eq3A_249, %broadcast_in_dim3A_251, %select_n3A_229 : vector<98x64x128xi1>, vector<98x64x128xf32>
    %reduce_max3A_253 = arith.constant dense<0xFF800000> : vector<98x64xf32>
    %reduce_max3A_254 = vector.multi_reduction <maximumf>, %select_n3A_252, %reduce_max3A_253 [2] : vector<98x64x128xf32> to vector<98x64xf32>
    %broadcast_in_dim3A_255 = vector.shape_cast %reduce_max3A_254 : vector<98x64xf32> to vector<98x64x1xf32>
    %reduce_max3A_256 = arith.constant dense<0xFF800000> : vector<64x1xf32>
    %reduce_max3A_257 = vector.multi_reduction <maximumf>, %broadcast_in_dim3A_255, %reduce_max3A_256 [0] : vector<98x64x1xf32> to vector<64x1xf32>
    %broadcast_in_dim3A_258 = vector.shape_cast %reduce_max3A_257 : vector<64x1xf32> to vector<1x64x1xf32>
    %eq3A_259 = vector.broadcast %broadcast_in_dim3A_258 : vector<1x64x1xf32> to vector<98x64x128xf32>
    %eq3A_260 = arith.cmpf oeq, %select_n3A_252, %eq3A_259 : vector<98x64x128xf32>
    %jit3A_261 = arith.constant 2147483647 : i32
    %broadcast_in_dim3A_262 = vector.broadcast %jit3A_261 : i32 to vector<98x64x128xi32>
    %select_n3A_263 = arith.select %eq3A_260, %get3A_6, %broadcast_in_dim3A_262 : vector<98x64x128xi1>, vector<98x64x128xi32>
    %reduce_min3A_264 = arith.constant dense<2147483647> : vector<98x64xi32>
    %reduce_min3A_265 = vector.multi_reduction <minsi>, %select_n3A_263, %reduce_min3A_264 [2] : vector<98x64x128xi32> to vector<98x64xi32>
    %broadcast_in_dim3A_266 = vector.shape_cast %reduce_min3A_265 : vector<98x64xi32> to vector<98x64x1xi32>
    %reduce_min3A_267 = arith.constant dense<2147483647> : vector<64x1xi32>
    %reduce_min3A_268 = vector.multi_reduction <minsi>, %broadcast_in_dim3A_266, %reduce_min3A_267 [0] : vector<98x64x1xi32> to vector<64x1xi32>
    %broadcast_in_dim3A_269 = vector.shape_cast %reduce_min3A_268 : vector<64x1xi32> to vector<1x64x1xi32>
    %reshape3A_270 = vector.shape_cast %broadcast_in_dim3A_269 : vector<1x64x1xi32> to vector<64x1xi32>
    %eq3A_271 = vector.broadcast %broadcast_in_dim3A_269 : vector<1x64x1xi32> to vector<98x64x128xi32>
    %eq3A_272 = arith.cmpi eq, %select_n3A_263, %eq3A_271 : vector<98x64x128xi32>
    %jit3A_273 = arith.constant 0xFF800000 : f32
    %broadcast_in_dim3A_274 = vector.broadcast %jit3A_273 : f32 to vector<98x64x128xf32>
    %select_n3A_275 = arith.select %eq3A_272, %broadcast_in_dim3A_274, %select_n3A_252 : vector<98x64x128xi1>, vector<98x64x128xf32>
    %reduce_max3A_276 = arith.constant dense<0xFF800000> : vector<98x64xf32>
    %reduce_max3A_277 = vector.multi_reduction <maximumf>, %select_n3A_275, %reduce_max3A_276 [2] : vector<98x64x128xf32> to vector<98x64xf32>
    %broadcast_in_dim3A_278 = vector.shape_cast %reduce_max3A_277 : vector<98x64xf32> to vector<98x64x1xf32>
    %reduce_max3A_279 = arith.constant dense<0xFF800000> : vector<64x1xf32>
    %reduce_max3A_280 = vector.multi_reduction <maximumf>, %broadcast_in_dim3A_278, %reduce_max3A_279 [0] : vector<98x64x1xf32> to vector<64x1xf32>
    %broadcast_in_dim3A_281 = vector.shape_cast %reduce_max3A_280 : vector<64x1xf32> to vector<1x64x1xf32>
    %eq3A_282 = vector.broadcast %broadcast_in_dim3A_281 : vector<1x64x1xf32> to vector<98x64x128xf32>
    %eq3A_283 = arith.cmpf oeq, %select_n3A_275, %eq3A_282 : vector<98x64x128xf32>
    %jit3A_284 = arith.constant 2147483647 : i32
    %broadcast_in_dim3A_285 = vector.broadcast %jit3A_284 : i32 to vector<98x64x128xi32>
    %select_n3A_286 = arith.select %eq3A_283, %get3A_6, %broadcast_in_dim3A_285 : vector<98x64x128xi1>, vector<98x64x128xi32>
    %reduce_min3A_287 = arith.constant dense<2147483647> : vector<98x64xi32>
    %reduce_min3A_288 = vector.multi_reduction <minsi>, %select_n3A_286, %reduce_min3A_287 [2] : vector<98x64x128xi32> to vector<98x64xi32>
    %broadcast_in_dim3A_289 = vector.shape_cast %reduce_min3A_288 : vector<98x64xi32> to vector<98x64x1xi32>
    %reduce_min3A_290 = arith.constant dense<2147483647> : vector<64x1xi32>
    %reduce_min3A_291 = vector.multi_reduction <minsi>, %broadcast_in_dim3A_289, %reduce_min3A_290 [0] : vector<98x64x1xi32> to vector<64x1xi32>
    %broadcast_in_dim3A_292 = vector.shape_cast %reduce_min3A_291 : vector<64x1xi32> to vector<1x64x1xi32>
    %reshape3A_293 = vector.shape_cast %broadcast_in_dim3A_292 : vector<1x64x1xi32> to vector<64x1xi32>
    %eq3A_294 = vector.broadcast %broadcast_in_dim3A_292 : vector<1x64x1xi32> to vector<98x64x128xi32>
    %eq3A_295 = arith.cmpi eq, %select_n3A_286, %eq3A_294 : vector<98x64x128xi32>
    %jit3A_296 = arith.constant 0xFF800000 : f32
    %broadcast_in_dim3A_297 = vector.broadcast %jit3A_296 : f32 to vector<98x64x128xf32>
    %select_n3A_298 = arith.select %eq3A_295, %broadcast_in_dim3A_297, %select_n3A_275 : vector<98x64x128xi1>, vector<98x64x128xf32>
    %reduce_max3A_299 = arith.constant dense<0xFF800000> : vector<98x64xf32>
    %reduce_max3A_300 = vector.multi_reduction <maximumf>, %select_n3A_298, %reduce_max3A_299 [2] : vector<98x64x128xf32> to vector<98x64xf32>
    %broadcast_in_dim3A_301 = vector.shape_cast %reduce_max3A_300 : vector<98x64xf32> to vector<98x64x1xf32>
    %reduce_max3A_302 = arith.constant dense<0xFF800000> : vector<64x1xf32>
    %reduce_max3A_303 = vector.multi_reduction <maximumf>, %broadcast_in_dim3A_301, %reduce_max3A_302 [0] : vector<98x64x1xf32> to vector<64x1xf32>
    %broadcast_in_dim3A_304 = vector.shape_cast %reduce_max3A_303 : vector<64x1xf32> to vector<1x64x1xf32>
    %eq3A_305 = vector.broadcast %broadcast_in_dim3A_304 : vector<1x64x1xf32> to vector<98x64x128xf32>
    %eq3A_306 = arith.cmpf oeq, %select_n3A_298, %eq3A_305 : vector<98x64x128xf32>
    %jit3A_307 = arith.constant 2147483647 : i32
    %broadcast_in_dim3A_308 = vector.broadcast %jit3A_307 : i32 to vector<98x64x128xi32>
    %select_n3A_309 = arith.select %eq3A_306, %get3A_6, %broadcast_in_dim3A_308 : vector<98x64x128xi1>, vector<98x64x128xi32>
    %reduce_min3A_310 = arith.constant dense<2147483647> : vector<98x64xi32>
    %reduce_min3A_311 = vector.multi_reduction <minsi>, %select_n3A_309, %reduce_min3A_310 [2] : vector<98x64x128xi32> to vector<98x64xi32>
    %broadcast_in_dim3A_312 = vector.shape_cast %reduce_min3A_311 : vector<98x64xi32> to vector<98x64x1xi32>
    %reduce_min3A_313 = arith.constant dense<2147483647> : vector<64x1xi32>
    %reduce_min3A_314 = vector.multi_reduction <minsi>, %broadcast_in_dim3A_312, %reduce_min3A_313 [0] : vector<98x64x1xi32> to vector<64x1xi32>
    %broadcast_in_dim3A_315 = vector.shape_cast %reduce_min3A_314 : vector<64x1xi32> to vector<1x64x1xi32>
    %reshape3A_316 = vector.shape_cast %broadcast_in_dim3A_315 : vector<1x64x1xi32> to vector<64x1xi32>
    %eq3A_317 = vector.broadcast %broadcast_in_dim3A_315 : vector<1x64x1xi32> to vector<98x64x128xi32>
    %eq3A_318 = arith.cmpi eq, %select_n3A_309, %eq3A_317 : vector<98x64x128xi32>
    %jit3A_319 = arith.constant 0xFF800000 : f32
    %broadcast_in_dim3A_320 = vector.broadcast %jit3A_319 : f32 to vector<98x64x128xf32>
    %select_n3A_321 = arith.select %eq3A_318, %broadcast_in_dim3A_320, %select_n3A_298 : vector<98x64x128xi1>, vector<98x64x128xf32>
    %reduce_max3A_322 = arith.constant dense<0xFF800000> : vector<98x64xf32>
    %reduce_max3A_323 = vector.multi_reduction <maximumf>, %select_n3A_321, %reduce_max3A_322 [2] : vector<98x64x128xf32> to vector<98x64xf32>
    %broadcast_in_dim3A_324 = vector.shape_cast %reduce_max3A_323 : vector<98x64xf32> to vector<98x64x1xf32>
    %reduce_max3A_325 = arith.constant dense<0xFF800000> : vector<64x1xf32>
    %reduce_max3A_326 = vector.multi_reduction <maximumf>, %broadcast_in_dim3A_324, %reduce_max3A_325 [0] : vector<98x64x1xf32> to vector<64x1xf32>
    %broadcast_in_dim3A_327 = vector.shape_cast %reduce_max3A_326 : vector<64x1xf32> to vector<1x64x1xf32>
    %eq3A_328 = vector.broadcast %broadcast_in_dim3A_327 : vector<1x64x1xf32> to vector<98x64x128xf32>
    %eq3A_329 = arith.cmpf oeq, %select_n3A_321, %eq3A_328 : vector<98x64x128xf32>
    %jit3A_330 = arith.constant 2147483647 : i32
    %broadcast_in_dim3A_331 = vector.broadcast %jit3A_330 : i32 to vector<98x64x128xi32>
    %select_n3A_332 = arith.select %eq3A_329, %get3A_6, %broadcast_in_dim3A_331 : vector<98x64x128xi1>, vector<98x64x128xi32>
    %reduce_min3A_333 = arith.constant dense<2147483647> : vector<98x64xi32>
    %reduce_min3A_334 = vector.multi_reduction <minsi>, %select_n3A_332, %reduce_min3A_333 [2] : vector<98x64x128xi32> to vector<98x64xi32>
    %broadcast_in_dim3A_335 = vector.shape_cast %reduce_min3A_334 : vector<98x64xi32> to vector<98x64x1xi32>
    %reduce_min3A_336 = arith.constant dense<2147483647> : vector<64x1xi32>
    %reduce_min3A_337 = vector.multi_reduction <minsi>, %broadcast_in_dim3A_335, %reduce_min3A_336 [0] : vector<98x64x1xi32> to vector<64x1xi32>
    %broadcast_in_dim3A_338 = vector.shape_cast %reduce_min3A_337 : vector<64x1xi32> to vector<1x64x1xi32>
    %reshape3A_339 = vector.shape_cast %broadcast_in_dim3A_338 : vector<1x64x1xi32> to vector<64x1xi32>
    %eq3A_340 = vector.broadcast %broadcast_in_dim3A_338 : vector<1x64x1xi32> to vector<98x64x128xi32>
    %eq3A_341 = arith.cmpi eq, %select_n3A_332, %eq3A_340 : vector<98x64x128xi32>
    %jit3A_342 = arith.constant 0xFF800000 : f32
    %broadcast_in_dim3A_343 = vector.broadcast %jit3A_342 : f32 to vector<98x64x128xf32>
    %select_n3A_344 = arith.select %eq3A_341, %broadcast_in_dim3A_343, %select_n3A_321 : vector<98x64x128xi1>, vector<98x64x128xf32>
    %reduce_max3A_345 = arith.constant dense<0xFF800000> : vector<98x64xf32>
    %reduce_max3A_346 = vector.multi_reduction <maximumf>, %select_n3A_344, %reduce_max3A_345 [2] : vector<98x64x128xf32> to vector<98x64xf32>
    %broadcast_in_dim3A_347 = vector.shape_cast %reduce_max3A_346 : vector<98x64xf32> to vector<98x64x1xf32>
    %reduce_max3A_348 = arith.constant dense<0xFF800000> : vector<64x1xf32>
    %reduce_max3A_349 = vector.multi_reduction <maximumf>, %broadcast_in_dim3A_347, %reduce_max3A_348 [0] : vector<98x64x1xf32> to vector<64x1xf32>
    %broadcast_in_dim3A_350 = vector.shape_cast %reduce_max3A_349 : vector<64x1xf32> to vector<1x64x1xf32>
    %eq3A_351 = vector.broadcast %broadcast_in_dim3A_350 : vector<1x64x1xf32> to vector<98x64x128xf32>
    %eq3A_352 = arith.cmpf oeq, %select_n3A_344, %eq3A_351 : vector<98x64x128xf32>
    %jit3A_353 = arith.constant 2147483647 : i32
    %broadcast_in_dim3A_354 = vector.broadcast %jit3A_353 : i32 to vector<98x64x128xi32>
    %select_n3A_355 = arith.select %eq3A_352, %get3A_6, %broadcast_in_dim3A_354 : vector<98x64x128xi1>, vector<98x64x128xi32>
    %reduce_min3A_356 = arith.constant dense<2147483647> : vector<98x64xi32>
    %reduce_min3A_357 = vector.multi_reduction <minsi>, %select_n3A_355, %reduce_min3A_356 [2] : vector<98x64x128xi32> to vector<98x64xi32>
    %broadcast_in_dim3A_358 = vector.shape_cast %reduce_min3A_357 : vector<98x64xi32> to vector<98x64x1xi32>
    %reduce_min3A_359 = arith.constant dense<2147483647> : vector<64x1xi32>
    %reduce_min3A_360 = vector.multi_reduction <minsi>, %broadcast_in_dim3A_358, %reduce_min3A_359 [0] : vector<98x64x1xi32> to vector<64x1xi32>
    %broadcast_in_dim3A_361 = vector.shape_cast %reduce_min3A_360 : vector<64x1xi32> to vector<1x64x1xi32>
    %reshape3A_362 = vector.shape_cast %broadcast_in_dim3A_361 : vector<1x64x1xi32> to vector<64x1xi32>
    %concatenate3A = tpu.concatenate %reshape3A, %reshape3A_40, %reshape3A_63, %reshape3A_86, %reshape3A_109, %reshape3A_132, %reshape3A_155, %reshape3A_178, %reshape3A_201, %reshape3A_224, %reshape3A_247, %reshape3A_270, %reshape3A_293, %reshape3A_316, %reshape3A_339, %reshape3A_362 in 1 : vector<64x1xi32>, vector<64x1xi32>, vector<64x1xi32>, vector<64x1xi32>, vector<64x1xi32>, vector<64x1xi32>, vector<64x1xi32>, vector<64x1xi32>, vector<64x1xi32>, vector<64x1xi32>, vector<64x1xi32>, vector<64x1xi32>, vector<64x1xi32>, vector<64x1xi32>, vector<64x1xi32>, vector<64x1xi32> -> vector<64x16xi32>
    %swap3A = arith.constant 0 : index
    %swap3A_363 = arith.constant 0 : index
    %swap3A_364 = vector.load %arg3[%swap3A, %swap3A_363] : memref<64x16xi32, #tpu.memory_space<vmem>>, vector<64x16xi32>
    tpu.vector_store %arg3[%swap3A, %swap3A_363], %concatenate3A {strides = array<i32>} : memref<64x16xi32, #tpu.memory_space<vmem>>, vector<64x16xi32>,
    return
  }
  func.func @transform_0(%arg0: i32) -> (i32, i32, i32) {
    %c0_i32 = arith.constant 0 : i32
    %c0_i32_0 = arith.constant 0 : i32
    %c0_i32_1 = arith.constant 0 : i32
    return %c0_i32, %arg0, %c0_i32_0 : i32, i32, i32
  }
  func.func @transform_1(%arg0: i32) -> (i32, i32, i32) {
    %c0_i32 = arith.constant 0 : i32
    %c0_i32_0 = arith.constant 0 : i32
    %c0_i32_1 = arith.constant 0 : i32
    return %c0_i32, %arg0, %c0_i32_0 : i32, i32, i32
  }
  func.func @transform_2(%arg0: i32) -> (i32, i32) {
    %c0_i32 = arith.constant 0 : i32
    %c0_i32_0 = arith.constant 0 : i32
    return %arg0, %c0_i32 : i32, i32
  }
}

module attributes {stable_mosaic.version = 14 : i64} {
  func.func @_select_body(%arg0: i32, %arg1: memref<256x128xf32, #tpu.memory_space<vmem>>, %arg2: memref<256x128xi32, #tpu.memory_space<vmem>>, %arg3: memref<256x16xf32, #tpu.memory_space<vmem>>, %arg4: memref<256x16xi32, #tpu.memory_space<vmem>>) attributes {dimension_semantics = [#tpu.dimension_semantics<arbitrary>], iteration_bounds = array<i64: 4>, scalar_prefetch = 0 : i64, scratch_operands = 0 : i64, tpu.core_type = #tpu.core_type<tc>, window_params = [{transform_indices = @transform_0, window_bounds = array<i64: 256, 128>}, {transform_indices = @transform_1, window_bounds = array<i64: 256, 128>}, {transform_indices = @transform_2, window_bounds = array<i64: 256, 16>}, {transform_indices = @transform_3, window_bounds = array<i64: 256, 16>}]} {
    %get3A = arith.constant 0 : index
    %get3A_0 = arith.constant 0 : index
    %get3A_1 = vector.load %arg1[%get3A, %get3A_0] : memref<256x128xf32, #tpu.memory_space<vmem>>, vector<256x128xf32>
    %get3A_2 = arith.constant 0 : index
    %get3A_3 = arith.constant 0 : index
    %get3A_4 = vector.load %arg2[%get3A_2, %get3A_3] : memref<256x128xi32, #tpu.memory_space<vmem>>, vector<256x128xi32>
    %reduce_max3A = arith.constant dense<0xFF800000> : vector<256xf32>
    %reduce_max3A_5 = vector.multi_reduction <maximumf>, %get3A_1, %reduce_max3A [1] : vector<256x128xf32> to vector<256xf32>
    %broadcast_in_dim3A = vector.shape_cast %reduce_max3A_5 : vector<256xf32> to vector<256x1xf32>
    %eq3A = vector.broadcast %broadcast_in_dim3A : vector<256x1xf32> to vector<256x128xf32>
    %eq3A_6 = arith.cmpf oeq, %get3A_1, %eq3A : vector<256x128xf32>
    %jit3A = arith.constant 2147483647 : i32
    %broadcast_in_dim3A_7 = vector.broadcast %jit3A : i32 to vector<256x128xi32>
    %select_n3A = arith.select %eq3A_6, %get3A_4, %broadcast_in_dim3A_7 : vector<256x128xi1>, vector<256x128xi32>
    %reduce_min3A = arith.constant dense<2147483647> : vector<256xi32>
    %reduce_min3A_8 = vector.multi_reduction <minsi>, %select_n3A, %reduce_min3A [1] : vector<256x128xi32> to vector<256xi32>
    %broadcast_in_dim3A_9 = vector.shape_cast %reduce_min3A_8 : vector<256xi32> to vector<256x1xi32>
    %eq3A_10 = vector.broadcast %broadcast_in_dim3A_9 : vector<256x1xi32> to vector<256x128xi32>
    %eq3A_11 = arith.cmpi eq, %select_n3A, %eq3A_10 : vector<256x128xi32>
    %jit3A_12 = arith.constant 0xFF800000 : f32
    %broadcast_in_dim3A_13 = vector.broadcast %jit3A_12 : f32 to vector<256x128xf32>
    %select_n3A_14 = arith.select %eq3A_11, %broadcast_in_dim3A_13, %get3A_1 : vector<256x128xi1>, vector<256x128xf32>
    %reduce_max3A_15 = arith.constant dense<0xFF800000> : vector<256xf32>
    %reduce_max3A_16 = vector.multi_reduction <maximumf>, %select_n3A_14, %reduce_max3A_15 [1] : vector<256x128xf32> to vector<256xf32>
    %broadcast_in_dim3A_17 = vector.shape_cast %reduce_max3A_16 : vector<256xf32> to vector<256x1xf32>
    %eq3A_18 = vector.broadcast %broadcast_in_dim3A_17 : vector<256x1xf32> to vector<256x128xf32>
    %eq3A_19 = arith.cmpf oeq, %select_n3A_14, %eq3A_18 : vector<256x128xf32>
    %jit3A_20 = arith.constant 2147483647 : i32
    %broadcast_in_dim3A_21 = vector.broadcast %jit3A_20 : i32 to vector<256x128xi32>
    %select_n3A_22 = arith.select %eq3A_19, %get3A_4, %broadcast_in_dim3A_21 : vector<256x128xi1>, vector<256x128xi32>
    %reduce_min3A_23 = arith.constant dense<2147483647> : vector<256xi32>
    %reduce_min3A_24 = vector.multi_reduction <minsi>, %select_n3A_22, %reduce_min3A_23 [1] : vector<256x128xi32> to vector<256xi32>
    %broadcast_in_dim3A_25 = vector.shape_cast %reduce_min3A_24 : vector<256xi32> to vector<256x1xi32>
    %eq3A_26 = vector.broadcast %broadcast_in_dim3A_25 : vector<256x1xi32> to vector<256x128xi32>
    %eq3A_27 = arith.cmpi eq, %select_n3A_22, %eq3A_26 : vector<256x128xi32>
    %jit3A_28 = arith.constant 0xFF800000 : f32
    %broadcast_in_dim3A_29 = vector.broadcast %jit3A_28 : f32 to vector<256x128xf32>
    %select_n3A_30 = arith.select %eq3A_27, %broadcast_in_dim3A_29, %select_n3A_14 : vector<256x128xi1>, vector<256x128xf32>
    %reduce_max3A_31 = arith.constant dense<0xFF800000> : vector<256xf32>
    %reduce_max3A_32 = vector.multi_reduction <maximumf>, %select_n3A_30, %reduce_max3A_31 [1] : vector<256x128xf32> to vector<256xf32>
    %broadcast_in_dim3A_33 = vector.shape_cast %reduce_max3A_32 : vector<256xf32> to vector<256x1xf32>
    %eq3A_34 = vector.broadcast %broadcast_in_dim3A_33 : vector<256x1xf32> to vector<256x128xf32>
    %eq3A_35 = arith.cmpf oeq, %select_n3A_30, %eq3A_34 : vector<256x128xf32>
    %jit3A_36 = arith.constant 2147483647 : i32
    %broadcast_in_dim3A_37 = vector.broadcast %jit3A_36 : i32 to vector<256x128xi32>
    %select_n3A_38 = arith.select %eq3A_35, %get3A_4, %broadcast_in_dim3A_37 : vector<256x128xi1>, vector<256x128xi32>
    %reduce_min3A_39 = arith.constant dense<2147483647> : vector<256xi32>
    %reduce_min3A_40 = vector.multi_reduction <minsi>, %select_n3A_38, %reduce_min3A_39 [1] : vector<256x128xi32> to vector<256xi32>
    %broadcast_in_dim3A_41 = vector.shape_cast %reduce_min3A_40 : vector<256xi32> to vector<256x1xi32>
    %eq3A_42 = vector.broadcast %broadcast_in_dim3A_41 : vector<256x1xi32> to vector<256x128xi32>
    %eq3A_43 = arith.cmpi eq, %select_n3A_38, %eq3A_42 : vector<256x128xi32>
    %jit3A_44 = arith.constant 0xFF800000 : f32
    %broadcast_in_dim3A_45 = vector.broadcast %jit3A_44 : f32 to vector<256x128xf32>
    %select_n3A_46 = arith.select %eq3A_43, %broadcast_in_dim3A_45, %select_n3A_30 : vector<256x128xi1>, vector<256x128xf32>
    %reduce_max3A_47 = arith.constant dense<0xFF800000> : vector<256xf32>
    %reduce_max3A_48 = vector.multi_reduction <maximumf>, %select_n3A_46, %reduce_max3A_47 [1] : vector<256x128xf32> to vector<256xf32>
    %broadcast_in_dim3A_49 = vector.shape_cast %reduce_max3A_48 : vector<256xf32> to vector<256x1xf32>
    %eq3A_50 = vector.broadcast %broadcast_in_dim3A_49 : vector<256x1xf32> to vector<256x128xf32>
    %eq3A_51 = arith.cmpf oeq, %select_n3A_46, %eq3A_50 : vector<256x128xf32>
    %jit3A_52 = arith.constant 2147483647 : i32
    %broadcast_in_dim3A_53 = vector.broadcast %jit3A_52 : i32 to vector<256x128xi32>
    %select_n3A_54 = arith.select %eq3A_51, %get3A_4, %broadcast_in_dim3A_53 : vector<256x128xi1>, vector<256x128xi32>
    %reduce_min3A_55 = arith.constant dense<2147483647> : vector<256xi32>
    %reduce_min3A_56 = vector.multi_reduction <minsi>, %select_n3A_54, %reduce_min3A_55 [1] : vector<256x128xi32> to vector<256xi32>
    %broadcast_in_dim3A_57 = vector.shape_cast %reduce_min3A_56 : vector<256xi32> to vector<256x1xi32>
    %eq3A_58 = vector.broadcast %broadcast_in_dim3A_57 : vector<256x1xi32> to vector<256x128xi32>
    %eq3A_59 = arith.cmpi eq, %select_n3A_54, %eq3A_58 : vector<256x128xi32>
    %jit3A_60 = arith.constant 0xFF800000 : f32
    %broadcast_in_dim3A_61 = vector.broadcast %jit3A_60 : f32 to vector<256x128xf32>
    %select_n3A_62 = arith.select %eq3A_59, %broadcast_in_dim3A_61, %select_n3A_46 : vector<256x128xi1>, vector<256x128xf32>
    %reduce_max3A_63 = arith.constant dense<0xFF800000> : vector<256xf32>
    %reduce_max3A_64 = vector.multi_reduction <maximumf>, %select_n3A_62, %reduce_max3A_63 [1] : vector<256x128xf32> to vector<256xf32>
    %broadcast_in_dim3A_65 = vector.shape_cast %reduce_max3A_64 : vector<256xf32> to vector<256x1xf32>
    %eq3A_66 = vector.broadcast %broadcast_in_dim3A_65 : vector<256x1xf32> to vector<256x128xf32>
    %eq3A_67 = arith.cmpf oeq, %select_n3A_62, %eq3A_66 : vector<256x128xf32>
    %jit3A_68 = arith.constant 2147483647 : i32
    %broadcast_in_dim3A_69 = vector.broadcast %jit3A_68 : i32 to vector<256x128xi32>
    %select_n3A_70 = arith.select %eq3A_67, %get3A_4, %broadcast_in_dim3A_69 : vector<256x128xi1>, vector<256x128xi32>
    %reduce_min3A_71 = arith.constant dense<2147483647> : vector<256xi32>
    %reduce_min3A_72 = vector.multi_reduction <minsi>, %select_n3A_70, %reduce_min3A_71 [1] : vector<256x128xi32> to vector<256xi32>
    %broadcast_in_dim3A_73 = vector.shape_cast %reduce_min3A_72 : vector<256xi32> to vector<256x1xi32>
    %eq3A_74 = vector.broadcast %broadcast_in_dim3A_73 : vector<256x1xi32> to vector<256x128xi32>
    %eq3A_75 = arith.cmpi eq, %select_n3A_70, %eq3A_74 : vector<256x128xi32>
    %jit3A_76 = arith.constant 0xFF800000 : f32
    %broadcast_in_dim3A_77 = vector.broadcast %jit3A_76 : f32 to vector<256x128xf32>
    %select_n3A_78 = arith.select %eq3A_75, %broadcast_in_dim3A_77, %select_n3A_62 : vector<256x128xi1>, vector<256x128xf32>
    %reduce_max3A_79 = arith.constant dense<0xFF800000> : vector<256xf32>
    %reduce_max3A_80 = vector.multi_reduction <maximumf>, %select_n3A_78, %reduce_max3A_79 [1] : vector<256x128xf32> to vector<256xf32>
    %broadcast_in_dim3A_81 = vector.shape_cast %reduce_max3A_80 : vector<256xf32> to vector<256x1xf32>
    %eq3A_82 = vector.broadcast %broadcast_in_dim3A_81 : vector<256x1xf32> to vector<256x128xf32>
    %eq3A_83 = arith.cmpf oeq, %select_n3A_78, %eq3A_82 : vector<256x128xf32>
    %jit3A_84 = arith.constant 2147483647 : i32
    %broadcast_in_dim3A_85 = vector.broadcast %jit3A_84 : i32 to vector<256x128xi32>
    %select_n3A_86 = arith.select %eq3A_83, %get3A_4, %broadcast_in_dim3A_85 : vector<256x128xi1>, vector<256x128xi32>
    %reduce_min3A_87 = arith.constant dense<2147483647> : vector<256xi32>
    %reduce_min3A_88 = vector.multi_reduction <minsi>, %select_n3A_86, %reduce_min3A_87 [1] : vector<256x128xi32> to vector<256xi32>
    %broadcast_in_dim3A_89 = vector.shape_cast %reduce_min3A_88 : vector<256xi32> to vector<256x1xi32>
    %eq3A_90 = vector.broadcast %broadcast_in_dim3A_89 : vector<256x1xi32> to vector<256x128xi32>
    %eq3A_91 = arith.cmpi eq, %select_n3A_86, %eq3A_90 : vector<256x128xi32>
    %jit3A_92 = arith.constant 0xFF800000 : f32
    %broadcast_in_dim3A_93 = vector.broadcast %jit3A_92 : f32 to vector<256x128xf32>
    %select_n3A_94 = arith.select %eq3A_91, %broadcast_in_dim3A_93, %select_n3A_78 : vector<256x128xi1>, vector<256x128xf32>
    %reduce_max3A_95 = arith.constant dense<0xFF800000> : vector<256xf32>
    %reduce_max3A_96 = vector.multi_reduction <maximumf>, %select_n3A_94, %reduce_max3A_95 [1] : vector<256x128xf32> to vector<256xf32>
    %broadcast_in_dim3A_97 = vector.shape_cast %reduce_max3A_96 : vector<256xf32> to vector<256x1xf32>
    %eq3A_98 = vector.broadcast %broadcast_in_dim3A_97 : vector<256x1xf32> to vector<256x128xf32>
    %eq3A_99 = arith.cmpf oeq, %select_n3A_94, %eq3A_98 : vector<256x128xf32>
    %jit3A_100 = arith.constant 2147483647 : i32
    %broadcast_in_dim3A_101 = vector.broadcast %jit3A_100 : i32 to vector<256x128xi32>
    %select_n3A_102 = arith.select %eq3A_99, %get3A_4, %broadcast_in_dim3A_101 : vector<256x128xi1>, vector<256x128xi32>
    %reduce_min3A_103 = arith.constant dense<2147483647> : vector<256xi32>
    %reduce_min3A_104 = vector.multi_reduction <minsi>, %select_n3A_102, %reduce_min3A_103 [1] : vector<256x128xi32> to vector<256xi32>
    %broadcast_in_dim3A_105 = vector.shape_cast %reduce_min3A_104 : vector<256xi32> to vector<256x1xi32>
    %eq3A_106 = vector.broadcast %broadcast_in_dim3A_105 : vector<256x1xi32> to vector<256x128xi32>
    %eq3A_107 = arith.cmpi eq, %select_n3A_102, %eq3A_106 : vector<256x128xi32>
    %jit3A_108 = arith.constant 0xFF800000 : f32
    %broadcast_in_dim3A_109 = vector.broadcast %jit3A_108 : f32 to vector<256x128xf32>
    %select_n3A_110 = arith.select %eq3A_107, %broadcast_in_dim3A_109, %select_n3A_94 : vector<256x128xi1>, vector<256x128xf32>
    %reduce_max3A_111 = arith.constant dense<0xFF800000> : vector<256xf32>
    %reduce_max3A_112 = vector.multi_reduction <maximumf>, %select_n3A_110, %reduce_max3A_111 [1] : vector<256x128xf32> to vector<256xf32>
    %broadcast_in_dim3A_113 = vector.shape_cast %reduce_max3A_112 : vector<256xf32> to vector<256x1xf32>
    %eq3A_114 = vector.broadcast %broadcast_in_dim3A_113 : vector<256x1xf32> to vector<256x128xf32>
    %eq3A_115 = arith.cmpf oeq, %select_n3A_110, %eq3A_114 : vector<256x128xf32>
    %jit3A_116 = arith.constant 2147483647 : i32
    %broadcast_in_dim3A_117 = vector.broadcast %jit3A_116 : i32 to vector<256x128xi32>
    %select_n3A_118 = arith.select %eq3A_115, %get3A_4, %broadcast_in_dim3A_117 : vector<256x128xi1>, vector<256x128xi32>
    %reduce_min3A_119 = arith.constant dense<2147483647> : vector<256xi32>
    %reduce_min3A_120 = vector.multi_reduction <minsi>, %select_n3A_118, %reduce_min3A_119 [1] : vector<256x128xi32> to vector<256xi32>
    %broadcast_in_dim3A_121 = vector.shape_cast %reduce_min3A_120 : vector<256xi32> to vector<256x1xi32>
    %eq3A_122 = vector.broadcast %broadcast_in_dim3A_121 : vector<256x1xi32> to vector<256x128xi32>
    %eq3A_123 = arith.cmpi eq, %select_n3A_118, %eq3A_122 : vector<256x128xi32>
    %jit3A_124 = arith.constant 0xFF800000 : f32
    %broadcast_in_dim3A_125 = vector.broadcast %jit3A_124 : f32 to vector<256x128xf32>
    %select_n3A_126 = arith.select %eq3A_123, %broadcast_in_dim3A_125, %select_n3A_110 : vector<256x128xi1>, vector<256x128xf32>
    %reduce_max3A_127 = arith.constant dense<0xFF800000> : vector<256xf32>
    %reduce_max3A_128 = vector.multi_reduction <maximumf>, %select_n3A_126, %reduce_max3A_127 [1] : vector<256x128xf32> to vector<256xf32>
    %broadcast_in_dim3A_129 = vector.shape_cast %reduce_max3A_128 : vector<256xf32> to vector<256x1xf32>
    %eq3A_130 = vector.broadcast %broadcast_in_dim3A_129 : vector<256x1xf32> to vector<256x128xf32>
    %eq3A_131 = arith.cmpf oeq, %select_n3A_126, %eq3A_130 : vector<256x128xf32>
    %jit3A_132 = arith.constant 2147483647 : i32
    %broadcast_in_dim3A_133 = vector.broadcast %jit3A_132 : i32 to vector<256x128xi32>
    %select_n3A_134 = arith.select %eq3A_131, %get3A_4, %broadcast_in_dim3A_133 : vector<256x128xi1>, vector<256x128xi32>
    %reduce_min3A_135 = arith.constant dense<2147483647> : vector<256xi32>
    %reduce_min3A_136 = vector.multi_reduction <minsi>, %select_n3A_134, %reduce_min3A_135 [1] : vector<256x128xi32> to vector<256xi32>
    %broadcast_in_dim3A_137 = vector.shape_cast %reduce_min3A_136 : vector<256xi32> to vector<256x1xi32>
    %eq3A_138 = vector.broadcast %broadcast_in_dim3A_137 : vector<256x1xi32> to vector<256x128xi32>
    %eq3A_139 = arith.cmpi eq, %select_n3A_134, %eq3A_138 : vector<256x128xi32>
    %jit3A_140 = arith.constant 0xFF800000 : f32
    %broadcast_in_dim3A_141 = vector.broadcast %jit3A_140 : f32 to vector<256x128xf32>
    %select_n3A_142 = arith.select %eq3A_139, %broadcast_in_dim3A_141, %select_n3A_126 : vector<256x128xi1>, vector<256x128xf32>
    %reduce_max3A_143 = arith.constant dense<0xFF800000> : vector<256xf32>
    %reduce_max3A_144 = vector.multi_reduction <maximumf>, %select_n3A_142, %reduce_max3A_143 [1] : vector<256x128xf32> to vector<256xf32>
    %broadcast_in_dim3A_145 = vector.shape_cast %reduce_max3A_144 : vector<256xf32> to vector<256x1xf32>
    %eq3A_146 = vector.broadcast %broadcast_in_dim3A_145 : vector<256x1xf32> to vector<256x128xf32>
    %eq3A_147 = arith.cmpf oeq, %select_n3A_142, %eq3A_146 : vector<256x128xf32>
    %jit3A_148 = arith.constant 2147483647 : i32
    %broadcast_in_dim3A_149 = vector.broadcast %jit3A_148 : i32 to vector<256x128xi32>
    %select_n3A_150 = arith.select %eq3A_147, %get3A_4, %broadcast_in_dim3A_149 : vector<256x128xi1>, vector<256x128xi32>
    %reduce_min3A_151 = arith.constant dense<2147483647> : vector<256xi32>
    %reduce_min3A_152 = vector.multi_reduction <minsi>, %select_n3A_150, %reduce_min3A_151 [1] : vector<256x128xi32> to vector<256xi32>
    %broadcast_in_dim3A_153 = vector.shape_cast %reduce_min3A_152 : vector<256xi32> to vector<256x1xi32>
    %eq3A_154 = vector.broadcast %broadcast_in_dim3A_153 : vector<256x1xi32> to vector<256x128xi32>
    %eq3A_155 = arith.cmpi eq, %select_n3A_150, %eq3A_154 : vector<256x128xi32>
    %jit3A_156 = arith.constant 0xFF800000 : f32
    %broadcast_in_dim3A_157 = vector.broadcast %jit3A_156 : f32 to vector<256x128xf32>
    %select_n3A_158 = arith.select %eq3A_155, %broadcast_in_dim3A_157, %select_n3A_142 : vector<256x128xi1>, vector<256x128xf32>
    %reduce_max3A_159 = arith.constant dense<0xFF800000> : vector<256xf32>
    %reduce_max3A_160 = vector.multi_reduction <maximumf>, %select_n3A_158, %reduce_max3A_159 [1] : vector<256x128xf32> to vector<256xf32>
    %broadcast_in_dim3A_161 = vector.shape_cast %reduce_max3A_160 : vector<256xf32> to vector<256x1xf32>
    %eq3A_162 = vector.broadcast %broadcast_in_dim3A_161 : vector<256x1xf32> to vector<256x128xf32>
    %eq3A_163 = arith.cmpf oeq, %select_n3A_158, %eq3A_162 : vector<256x128xf32>
    %jit3A_164 = arith.constant 2147483647 : i32
    %broadcast_in_dim3A_165 = vector.broadcast %jit3A_164 : i32 to vector<256x128xi32>
    %select_n3A_166 = arith.select %eq3A_163, %get3A_4, %broadcast_in_dim3A_165 : vector<256x128xi1>, vector<256x128xi32>
    %reduce_min3A_167 = arith.constant dense<2147483647> : vector<256xi32>
    %reduce_min3A_168 = vector.multi_reduction <minsi>, %select_n3A_166, %reduce_min3A_167 [1] : vector<256x128xi32> to vector<256xi32>
    %broadcast_in_dim3A_169 = vector.shape_cast %reduce_min3A_168 : vector<256xi32> to vector<256x1xi32>
    %eq3A_170 = vector.broadcast %broadcast_in_dim3A_169 : vector<256x1xi32> to vector<256x128xi32>
    %eq3A_171 = arith.cmpi eq, %select_n3A_166, %eq3A_170 : vector<256x128xi32>
    %jit3A_172 = arith.constant 0xFF800000 : f32
    %broadcast_in_dim3A_173 = vector.broadcast %jit3A_172 : f32 to vector<256x128xf32>
    %select_n3A_174 = arith.select %eq3A_171, %broadcast_in_dim3A_173, %select_n3A_158 : vector<256x128xi1>, vector<256x128xf32>
    %reduce_max3A_175 = arith.constant dense<0xFF800000> : vector<256xf32>
    %reduce_max3A_176 = vector.multi_reduction <maximumf>, %select_n3A_174, %reduce_max3A_175 [1] : vector<256x128xf32> to vector<256xf32>
    %broadcast_in_dim3A_177 = vector.shape_cast %reduce_max3A_176 : vector<256xf32> to vector<256x1xf32>
    %eq3A_178 = vector.broadcast %broadcast_in_dim3A_177 : vector<256x1xf32> to vector<256x128xf32>
    %eq3A_179 = arith.cmpf oeq, %select_n3A_174, %eq3A_178 : vector<256x128xf32>
    %jit3A_180 = arith.constant 2147483647 : i32
    %broadcast_in_dim3A_181 = vector.broadcast %jit3A_180 : i32 to vector<256x128xi32>
    %select_n3A_182 = arith.select %eq3A_179, %get3A_4, %broadcast_in_dim3A_181 : vector<256x128xi1>, vector<256x128xi32>
    %reduce_min3A_183 = arith.constant dense<2147483647> : vector<256xi32>
    %reduce_min3A_184 = vector.multi_reduction <minsi>, %select_n3A_182, %reduce_min3A_183 [1] : vector<256x128xi32> to vector<256xi32>
    %broadcast_in_dim3A_185 = vector.shape_cast %reduce_min3A_184 : vector<256xi32> to vector<256x1xi32>
    %eq3A_186 = vector.broadcast %broadcast_in_dim3A_185 : vector<256x1xi32> to vector<256x128xi32>
    %eq3A_187 = arith.cmpi eq, %select_n3A_182, %eq3A_186 : vector<256x128xi32>
    %jit3A_188 = arith.constant 0xFF800000 : f32
    %broadcast_in_dim3A_189 = vector.broadcast %jit3A_188 : f32 to vector<256x128xf32>
    %select_n3A_190 = arith.select %eq3A_187, %broadcast_in_dim3A_189, %select_n3A_174 : vector<256x128xi1>, vector<256x128xf32>
    %reduce_max3A_191 = arith.constant dense<0xFF800000> : vector<256xf32>
    %reduce_max3A_192 = vector.multi_reduction <maximumf>, %select_n3A_190, %reduce_max3A_191 [1] : vector<256x128xf32> to vector<256xf32>
    %broadcast_in_dim3A_193 = vector.shape_cast %reduce_max3A_192 : vector<256xf32> to vector<256x1xf32>
    %eq3A_194 = vector.broadcast %broadcast_in_dim3A_193 : vector<256x1xf32> to vector<256x128xf32>
    %eq3A_195 = arith.cmpf oeq, %select_n3A_190, %eq3A_194 : vector<256x128xf32>
    %jit3A_196 = arith.constant 2147483647 : i32
    %broadcast_in_dim3A_197 = vector.broadcast %jit3A_196 : i32 to vector<256x128xi32>
    %select_n3A_198 = arith.select %eq3A_195, %get3A_4, %broadcast_in_dim3A_197 : vector<256x128xi1>, vector<256x128xi32>
    %reduce_min3A_199 = arith.constant dense<2147483647> : vector<256xi32>
    %reduce_min3A_200 = vector.multi_reduction <minsi>, %select_n3A_198, %reduce_min3A_199 [1] : vector<256x128xi32> to vector<256xi32>
    %broadcast_in_dim3A_201 = vector.shape_cast %reduce_min3A_200 : vector<256xi32> to vector<256x1xi32>
    %eq3A_202 = vector.broadcast %broadcast_in_dim3A_201 : vector<256x1xi32> to vector<256x128xi32>
    %eq3A_203 = arith.cmpi eq, %select_n3A_198, %eq3A_202 : vector<256x128xi32>
    %jit3A_204 = arith.constant 0xFF800000 : f32
    %broadcast_in_dim3A_205 = vector.broadcast %jit3A_204 : f32 to vector<256x128xf32>
    %select_n3A_206 = arith.select %eq3A_203, %broadcast_in_dim3A_205, %select_n3A_190 : vector<256x128xi1>, vector<256x128xf32>
    %reduce_max3A_207 = arith.constant dense<0xFF800000> : vector<256xf32>
    %reduce_max3A_208 = vector.multi_reduction <maximumf>, %select_n3A_206, %reduce_max3A_207 [1] : vector<256x128xf32> to vector<256xf32>
    %broadcast_in_dim3A_209 = vector.shape_cast %reduce_max3A_208 : vector<256xf32> to vector<256x1xf32>
    %eq3A_210 = vector.broadcast %broadcast_in_dim3A_209 : vector<256x1xf32> to vector<256x128xf32>
    %eq3A_211 = arith.cmpf oeq, %select_n3A_206, %eq3A_210 : vector<256x128xf32>
    %jit3A_212 = arith.constant 2147483647 : i32
    %broadcast_in_dim3A_213 = vector.broadcast %jit3A_212 : i32 to vector<256x128xi32>
    %select_n3A_214 = arith.select %eq3A_211, %get3A_4, %broadcast_in_dim3A_213 : vector<256x128xi1>, vector<256x128xi32>
    %reduce_min3A_215 = arith.constant dense<2147483647> : vector<256xi32>
    %reduce_min3A_216 = vector.multi_reduction <minsi>, %select_n3A_214, %reduce_min3A_215 [1] : vector<256x128xi32> to vector<256xi32>
    %broadcast_in_dim3A_217 = vector.shape_cast %reduce_min3A_216 : vector<256xi32> to vector<256x1xi32>
    %eq3A_218 = vector.broadcast %broadcast_in_dim3A_217 : vector<256x1xi32> to vector<256x128xi32>
    %eq3A_219 = arith.cmpi eq, %select_n3A_214, %eq3A_218 : vector<256x128xi32>
    %jit3A_220 = arith.constant 0xFF800000 : f32
    %broadcast_in_dim3A_221 = vector.broadcast %jit3A_220 : f32 to vector<256x128xf32>
    %select_n3A_222 = arith.select %eq3A_219, %broadcast_in_dim3A_221, %select_n3A_206 : vector<256x128xi1>, vector<256x128xf32>
    %reduce_max3A_223 = arith.constant dense<0xFF800000> : vector<256xf32>
    %reduce_max3A_224 = vector.multi_reduction <maximumf>, %select_n3A_222, %reduce_max3A_223 [1] : vector<256x128xf32> to vector<256xf32>
    %broadcast_in_dim3A_225 = vector.shape_cast %reduce_max3A_224 : vector<256xf32> to vector<256x1xf32>
    %eq3A_226 = vector.broadcast %broadcast_in_dim3A_225 : vector<256x1xf32> to vector<256x128xf32>
    %eq3A_227 = arith.cmpf oeq, %select_n3A_222, %eq3A_226 : vector<256x128xf32>
    %jit3A_228 = arith.constant 2147483647 : i32
    %broadcast_in_dim3A_229 = vector.broadcast %jit3A_228 : i32 to vector<256x128xi32>
    %select_n3A_230 = arith.select %eq3A_227, %get3A_4, %broadcast_in_dim3A_229 : vector<256x128xi1>, vector<256x128xi32>
    %reduce_min3A_231 = arith.constant dense<2147483647> : vector<256xi32>
    %reduce_min3A_232 = vector.multi_reduction <minsi>, %select_n3A_230, %reduce_min3A_231 [1] : vector<256x128xi32> to vector<256xi32>
    %broadcast_in_dim3A_233 = vector.shape_cast %reduce_min3A_232 : vector<256xi32> to vector<256x1xi32>
    %eq3A_234 = vector.broadcast %broadcast_in_dim3A_233 : vector<256x1xi32> to vector<256x128xi32>
    %eq3A_235 = arith.cmpi eq, %select_n3A_230, %eq3A_234 : vector<256x128xi32>
    %jit3A_236 = arith.constant 0xFF800000 : f32
    %broadcast_in_dim3A_237 = vector.broadcast %jit3A_236 : f32 to vector<256x128xf32>
    %select_n3A_238 = arith.select %eq3A_235, %broadcast_in_dim3A_237, %select_n3A_222 : vector<256x128xi1>, vector<256x128xf32>
    %reduce_max3A_239 = arith.constant dense<0xFF800000> : vector<256xf32>
    %reduce_max3A_240 = vector.multi_reduction <maximumf>, %select_n3A_238, %reduce_max3A_239 [1] : vector<256x128xf32> to vector<256xf32>
    %broadcast_in_dim3A_241 = vector.shape_cast %reduce_max3A_240 : vector<256xf32> to vector<256x1xf32>
    %eq3A_242 = vector.broadcast %broadcast_in_dim3A_241 : vector<256x1xf32> to vector<256x128xf32>
    %eq3A_243 = arith.cmpf oeq, %select_n3A_238, %eq3A_242 : vector<256x128xf32>
    %jit3A_244 = arith.constant 2147483647 : i32
    %broadcast_in_dim3A_245 = vector.broadcast %jit3A_244 : i32 to vector<256x128xi32>
    %select_n3A_246 = arith.select %eq3A_243, %get3A_4, %broadcast_in_dim3A_245 : vector<256x128xi1>, vector<256x128xi32>
    %reduce_min3A_247 = arith.constant dense<2147483647> : vector<256xi32>
    %reduce_min3A_248 = vector.multi_reduction <minsi>, %select_n3A_246, %reduce_min3A_247 [1] : vector<256x128xi32> to vector<256xi32>
    %broadcast_in_dim3A_249 = vector.shape_cast %reduce_min3A_248 : vector<256xi32> to vector<256x1xi32>
    %concatenate3A = tpu.concatenate %broadcast_in_dim3A, %broadcast_in_dim3A_17, %broadcast_in_dim3A_33, %broadcast_in_dim3A_49, %broadcast_in_dim3A_65, %broadcast_in_dim3A_81, %broadcast_in_dim3A_97, %broadcast_in_dim3A_113, %broadcast_in_dim3A_129, %broadcast_in_dim3A_145, %broadcast_in_dim3A_161, %broadcast_in_dim3A_177, %broadcast_in_dim3A_193, %broadcast_in_dim3A_209, %broadcast_in_dim3A_225, %broadcast_in_dim3A_241 in 1 : vector<256x1xf32>, vector<256x1xf32>, vector<256x1xf32>, vector<256x1xf32>, vector<256x1xf32>, vector<256x1xf32>, vector<256x1xf32>, vector<256x1xf32>, vector<256x1xf32>, vector<256x1xf32>, vector<256x1xf32>, vector<256x1xf32>, vector<256x1xf32>, vector<256x1xf32>, vector<256x1xf32>, vector<256x1xf32> -> vector<256x16xf32>
    %slice3A = vector.extract_strided_slice %concatenate3A {offsets = [0, 0], sizes = [256, 1], strides = [1, 1]} : vector<256x16xf32> to vector<256x1xf32>
    %sub3A = vector.broadcast %slice3A : vector<256x1xf32> to vector<256x16xf32>
    %sub3A_250 = arith.subf %concatenate3A, %sub3A : vector<256x16xf32>
    %exp3A = math.exp %sub3A_250 : vector<256x16xf32>
    %reduce_sum3A = arith.constant dense<0.000000e+00> : vector<256xf32>
    %reduce_sum3A_251 = vector.multi_reduction <add>, %exp3A, %reduce_sum3A [1] : vector<256x16xf32> to vector<256xf32>
    %broadcast_in_dim3A_252 = vector.shape_cast %reduce_sum3A_251 : vector<256xf32> to vector<256x1xf32>
    %div3A = vector.broadcast %broadcast_in_dim3A_252 : vector<256x1xf32> to vector<256x16xf32>
    %div3A_253 = arith.divf %exp3A, %div3A : vector<256x16xf32>
    %swap3A = arith.constant 0 : index
    %swap3A_254 = arith.constant 0 : index
    %swap3A_255 = vector.load %arg3[%swap3A, %swap3A_254] : memref<256x16xf32, #tpu.memory_space<vmem>>, vector<256x16xf32>
    tpu.vector_store %arg3[%swap3A, %swap3A_254], %div3A_253 {strides = array<i32>} : memref<256x16xf32, #tpu.memory_space<vmem>>, vector<256x16xf32>,
    %concatenate3A_256 = tpu.concatenate %broadcast_in_dim3A_9, %broadcast_in_dim3A_25, %broadcast_in_dim3A_41, %broadcast_in_dim3A_57, %broadcast_in_dim3A_73, %broadcast_in_dim3A_89, %broadcast_in_dim3A_105, %broadcast_in_dim3A_121, %broadcast_in_dim3A_137, %broadcast_in_dim3A_153, %broadcast_in_dim3A_169, %broadcast_in_dim3A_185, %broadcast_in_dim3A_201, %broadcast_in_dim3A_217, %broadcast_in_dim3A_233, %broadcast_in_dim3A_249 in 1 : vector<256x1xi32>, vector<256x1xi32>, vector<256x1xi32>, vector<256x1xi32>, vector<256x1xi32>, vector<256x1xi32>, vector<256x1xi32>, vector<256x1xi32>, vector<256x1xi32>, vector<256x1xi32>, vector<256x1xi32>, vector<256x1xi32>, vector<256x1xi32>, vector<256x1xi32>, vector<256x1xi32>, vector<256x1xi32> -> vector<256x16xi32>
    %swap3A_257 = arith.constant 0 : index
    %swap3A_258 = arith.constant 0 : index
    %swap3A_259 = vector.load %arg4[%swap3A_257, %swap3A_258] : memref<256x16xi32, #tpu.memory_space<vmem>>, vector<256x16xi32>
    tpu.vector_store %arg4[%swap3A_257, %swap3A_258], %concatenate3A_256 {strides = array<i32>} : memref<256x16xi32, #tpu.memory_space<vmem>>, vector<256x16xi32>,
    return
  }
  func.func @transform_0(%arg0: i32) -> (i32, i32) {
    %c0_i32 = arith.constant 0 : i32
    %c0_i32_0 = arith.constant 0 : i32
    return %arg0, %c0_i32 : i32, i32
  }
  func.func @transform_1(%arg0: i32) -> (i32, i32) {
    %c0_i32 = arith.constant 0 : i32
    %c0_i32_0 = arith.constant 0 : i32
    return %arg0, %c0_i32 : i32, i32
  }
  func.func @transform_2(%arg0: i32) -> (i32, i32) {
    %c0_i32 = arith.constant 0 : i32
    %c0_i32_0 = arith.constant 0 : i32
    return %arg0, %c0_i32 : i32, i32
  }
  func.func @transform_3(%arg0: i32) -> (i32, i32) {
    %c0_i32 = arith.constant 0 : i32
    %c0_i32_0 = arith.constant 0 : i32
    return %arg0, %c0_i32 : i32, i32
  }
}

</mosaic_0001>

<sc_bundles>
// kernel: kernel.10.cloned.1.call-start
scs
__scs_entry_jumppad:
0x0: {  	(pc) =	sbr.rel $0x88, $3  }
0x1: {  	(tag) =	ssettag $0x0;
	lr =	simm.s32 $0x1  }
0x2: {  	[smem:$0x3F9C] =	sst lr;
	_ =	strace $0xD0000000  }
0x3: {  	_ = 	snop  }
0x4: {  	_ = 	snop  }
0x5: {  	_ = 	snop  }
0x6: {  	_ = 	snop  }
0x7: {  	_ = 	snop  }
__scs_overlays_trampoline_lowered:
0x8: {  	[smem:$0x3FAB] =	sst s0  }
0x9: {  	[smem:$0x3FAC] =	sst s1  }
0xa: {  	[smem:$0x3FAD] =	sst s2  }
0xb: {  	[smem:$0x3FAE] =	sst s3  }
0xc: {  	[smem:$0x3FAF] =	sst s4  }
0xd: {  	[smem:$0x3FB0] =	sst s5  }
0xe: {  	[smem:$0x3FB1] =	sst s6  }
0xf: {  	[smem:$0x3FB2] =	sst s7  }
0x10: {  	[smem:$0x3FB3] =	sst s8  }
0x11: {  	[smem:$0x3FB4] =	sst s9;
	s0 =	simm.s32 @!p0 $0x0  }
0x12: {  	s1 =	sld [smem:$0x3F9A];
	s0 =	simm.s32 @p0 $0x1  }
0x13: {  	[smem:$0x3FB5] =	sst s0;
	s0 =	simm.s32 @!p1 $0x0  }
0x14: {  	s2 =	sld [smem:$0x3F99];
	s0 =	simm.s32 @p1 $0x1  }
0x15: {  	[smem:$0x3FB6] =	sst s0;
	s0 =	simm.s32 @!p2 $0x0  }
0x16: {  	s3 =	sld [smem:$0x3FDB];
	s0 =	simm.s32 @p2 $0x1  }
0x17: {  	s4 =	simm.s32 $0x1BF5;
	[smem:$0x3FB8] =	sst s0  }
0x18: {  	s0 =	sld [smem:$0x3F9B];
	_ =	swait.ge [sflag:s4], $0x0  }
0x19: {  	s7 =	sld [smem:$0x3F9C]  }
0x1a: {  	s8 =	sadd.s32 $0xFFFFE003, lr  }
0x1b: {  	s9 =	sadd.s32 $0xFFFFFEF7, lr;
	s5 =	simm.s32 $0xFFFFFFFF;
	p2 =	slt.u32 s8, $0xFFFFF086  }
0x1c: {  	p1 =	slt.u32 s9, $0xF7A;
	s5 =	simm.s32 @!p2 $0x0  }
0x1d: {  	s5 =	simm.s32 @p1 $0x1;
	p0 =	seq.s32 s7, s2  }
0x1e: {  	s7 =	smul.u32 @!p0 $0xF7A, s2;
	p2 =	seq.s32 @!p0 s5, $0x0  }
0x1f: {  	s9 =	smul.u32 $0xF7A, s1;
	s8 =	simm.s32 @!p0 $0x1BF5;
	p2 =	por !p2, p0  }
0x20: {  	[sflag:s8] =	ssyncset.s32 @!p0 $0xFFFFF086;
	s6 =	sadd.s32 @!p0 s3, s7;
	s7 =	simm.s32 @!p0 $0x108  }
0x21: {  	s3 =	sadd.s32 s3, s9;
	s6 =	sadd.s32 @!p0 $0x88, s6;
	s7 =	simm.s32 @p2 $0x1082  }
0x22: {  	[simem:s7], [sflag:s8] =	dma.local @!p0 [hbm:s6], $0xF7A  }
0x23: {  	s9 =	sor.u32 $0xD0000000, s2;
	s6 =	simm.s32 $0x108;
	_ =	swait.ge @!p0 [sflag:s8], $0x0  }
0x24: {  	s3 =	sadd.s32 $0x88, s3;
	s6 =	simm.s32 @!p1 $0x1082;
	[sflag:s4] =	ssyncset.s32 $0xFFFFF086  }
0x25: {  	[simem:s6], [sflag:s4] =	dma.local [hbm:s3], $0xF7A  }
0x26: {  	[smem:$0x3F9C] =	sst s1;
	(tag) =	ssettag s2;
	_ =	strace s9  }
0x27: {  	s1 =	sld [smem:$0x3FAC]  }
0x28: {  	s2 =	sld [smem:$0x3FAD]  }
0x29: {  	s4 =	sld [smem:$0x3FAF]  }
0x2a: {  	p0 =	seq.s32 s5, $0x0;
	s5 =	sld [smem:$0x3FB0]  }
0x2b: {  	s6 =	sld [smem:$0x3FB1]  }
0x2c: {  	s7 =	sld [smem:$0x3FB2]  }
0x2d: {  	s3 =	simm.s32 $0x108;
	s8 =	sld [smem:$0x3FB3]  }
0x2e: {  	s3 =	simm.s32 @!p0 $0x1082;
	s9 =	sld [smem:$0x3FB4]  }
0x2f: {  	lr =	sadd.s32 s0, s3;
	s0 =	sld [smem:$0x3FAB]  }
0x30: {  	s3 =	sld [smem:$0x3FAE]  }
0x31: {  	[smem:$0x3FB7] =	sst s10  }
0x32: {  	s10 =	sld [smem:$0x3FB5];
	_ =	sdelay $0x3  }
0x33: {  	p0 =	seq.s32 s10, $0x1;
	s10 =	sld [smem:$0x3FB7];
	_ =	sdelay $0x3  }
0x34: {  	[smem:$0x3FB7] =	sst s10  }
0x35: {  	s10 =	sld [smem:$0x3FB6];
	_ =	sdelay $0x3  }
0x36: {  	p1 =	seq.s32 s10, $0x1;
	s10 =	sld [smem:$0x3FB7];
	_ =	sdelay $0x3  }
0x37: {  	[smem:$0x3FB7] =	sst s10  }
0x38: {  	s10 =	sld [smem:$0x3FB8]  }
0x39: {  	_ = 	snop;
	(pc) =	sbr.ind lr, $3  }
0x3a: {  	_ = 	snop  }
0x3b: {  	_ = 	snop  }
0x3c: {  	p2 =	seq.s32 s10, $0x1;
	s10 =	sld [smem:$0x3FB7]  }
0x3d: {  	_ =	shalt  }
0x3e: {  	_ =	shalt  }
0x3f: {  	_ =	shalt  }
0x40: {  	_ =	shalt  }
0x41: {  	_ =	shalt  }
0x42: {  	_ =	shalt  }
0x43: {  	_ =	shalt  }
0x44: {  	_ =	shalt  }
0x45: {  	_ =	shalt  }
0x46: {  	_ =	shalt  }
0x47: {  	_ =	shalt  }
0x48: {  	_ =	shalt  }
0x49: {  	_ =	shalt  }
0x4a: {  	_ =	shalt  }
0x4b: {  	_ =	shalt  }
0x4c: {  	_ =	shalt  }
0x4d: {  	_ =	shalt  }
0x4e: {  	_ =	shalt  }
0x4f: {  	_ =	shalt  }
0x50: {  	_ =	shalt  }
0x51: {  	_ =	shalt  }
0x52: {  	_ =	shalt  }
0x53: {  	_ =	shalt  }
0x54: {  	_ =	shalt  }
0x55: {  	_ =	shalt  }
0x56: {  	_ =	shalt  }
0x57: {  	_ =	shalt  }
0x58: {  	_ =	shalt  }
0x59: {  	_ =	shalt  }
0x5a: {  	_ =	shalt  }
0x5b: {  	_ =	shalt  }
0x5c: {  	_ =	shalt  }
0x5d: {  	_ =	shalt  }
0x5e: {  	_ =	shalt  }
0x5f: {  	_ =	shalt  }
0x60: {  	_ =	shalt  }
0x61: {  	_ =	shalt  }
0x62: {  	_ =	shalt  }
0x63: {  	_ =	shalt  }
0x64: {  	_ =	shalt  }
0x65: {  	_ =	shalt  }
0x66: {  	_ =	shalt  }
0x67: {  	_ =	shalt  }
0x68: {  	_ =	shalt  }
0x69: {  	_ =	shalt  }
0x6a: {  	_ =	shalt  }
0x6b: {  	_ =	shalt  }
0x6c: {  	_ =	shalt  }
0x6d: {  	_ =	shalt  }
0x6e: {  	_ =	shalt  }
0x6f: {  	_ =	shalt  }
0x70: {  	_ =	shalt  }
0x71: {  	_ =	shalt  }
0x72: {  	_ =	shalt  }
0x73: {  	_ =	shalt  }
0x74: {  	_ =	shalt  }
0x75: {  	_ =	shalt  }
0x76: {  	_ =	shalt  }
0x77: {  	_ =	shalt  }
0x78: {  	_ =	shalt  }
0x79: {  	_ =	shalt  }
0x7a: {  	_ =	shalt  }
0x7b: {  	_ =	shalt  }
0x7c: {  	_ =	shalt  }
0x7d: {  	_ =	shalt  }
0x7e: {  	_ =	shalt  }
0x7f: {  	_ =	shalt  }
0x80: {  	_ =	shalt  }
0x81: {  	_ =	shalt  }
0x82: {  	_ =	shalt  }
0x83: {  	_ =	shalt  }
0x84: {  	_ =	shalt  }
0x85: {  	_ =	shalt  }
0x86: {  	_ =	shalt  }
0x87: {  	_ =	shalt  }
.Lfunc_end0:
.L_simem_size_0:
called_computation.2_lowered:
.L_overlay_start_0:
0x88: {  	s2 =	sld [smem:$0x3FD9]  }
0x89: {  	s3 =	sld [smem:$0x3FFE];
	_ =	sdelay $0x1  }
0x8a: {  	s1 =	srdreg.scid  }
0x8b: {  	s0 =	sand.u32 $0x1, s1  }
0x8c: {  	s14 =	sshll.u32 s0, $0xA;
	s2 =	sadd.s32 s3, s2  }
0x8d: {  	s2 =	sadd.s32 s2, s14  }
0x8e: {  	[smem:$0x3FC3] =	sst s2  }
0x8f: {  	_ = 	snop  }
0x90: {  	s2 =	sld [smem:$0x3FD0];
	_ =	sdelay $0x2  }
0x91: {  	s4 =	simm.s32 $0xA;
	s5 =	simm.s32 $0x10;
	s15 =	sld [smem:$0x3FC7]  }
0x92: {  	[smem:s5], [sflag:s4] =	dma.local [hbm:s2], $0x1  }
0x93: {  	_ =	swait.eq [sflag:s4], $0x1  }
0x94: {  	[sflag:s4] =	ssyncset.done $0x0  }
0x95: {  	[sflag:s4] =	ssyncadd.s32 $0xFFFFFFFF  }
0x96: {  	s16 =	sld [smem:$0x10];
	(tm) =	ssettm $0x1  }
0x97: {  	s17 =	sld [smem:$0x3FFB];
	_ =	sdelay $0x3  }
0x98: {  	_ =	strace s17  }
0x99: {  	s4 =	sld [smem:$0x3FFC];
	_ =	sdelay $0x3  }
0x9a: {  	_ =	strace s4  }
0x9b: {  	s4 =	sld [smem:$0x3FFD];
	_ =	sdelay $0x3  }
0x9c: {  	_ =	strace s4  }
0x9d: {  	_ =	strace $0x8FFFFFFF  }
0x9e: {  	s18 =	sld [smem:$0x3FDB];
	_ =	sdelay $0x1  }
0x9f: {  	s19 =	simm.s32 $_scs_section_size  }
0xa0: {  	s6 =	simm.s32 $_size__tile_overlayer_lowered;
	s7 =	simm.s32 $_tile_overlayer_lowered  }
0xa1: {  	s22 =	simm.s32 $0x1BFF;
	s21 =	sshll.u32 s7, $0x1;
	s4 =	sadd.s32 s19, s18  }
0xa2: {  	s8 =	simm.s32 $0x0;
	s20 =	sshll.u32 s6, $0x1;
	s6 =	sadd.s32 s21, s4  }
0xa3: {  	[timem:s8], [sflag:s22] =	dma.local [hbm:s6], s20  }
0xa4: {  	_ =	swait.ge [sflag:s22], s20  }
0xa5: {  	s5 =	ssub.s32 $0x0, s20;
	[sflag:s22] =	ssyncset.done $0x0  }
0xa6: {  	[sflag:s22] =	ssyncadd.s32 s5;
	_ =	sdelay $0x1  }
0xa7: {  	s23 =	simm.s32 $0x1B8B  }
0xa8: {  	_ =	swait.ge [sflag:s23], $0x1  }
0xa9: {  	[sflag:s23] =	ssyncset.done $0x0  }
0xaa: {  	s25 =	simm.s32 $0x1B8E;
	s24 =	sld [smem:$0x3FFE];
	[sflag:s23] =	ssyncadd.s32 $0xFFFFFFFF  }
0xab: {  	s26 =	simm.s32 $execute0_lowered;
	[smem:$0x3FD2] =	sst s25  }
0xac: {  	s6 =	sshll.u32 s26, $0x1;
	_ =	strace $0x8000004C;
	[dreg:$0x1] =	wrdreg $0xFFFFFFFF  }
0xad: {  	s28 =	simm.s32 $_size_execute0_lowered;
	s4 =	sadd.s32 s4, s6;
	[dreg:$0x0] =	wrdreg $0x0  }
0xae: {  	s6 =	sshll.u32 s28, $0x1;
	[dreg:$0x2] =	wrdreg s4  }
0xaf: {  	[dreg:$0x3] =	wrdreg s6  }
0xb0: {  	[dreg:$0x4] =	wrdreg $0xC0  }
0xb1: {  	_ =	task [dreg:s8], $0x5FFFF  }
0xb2: {  	[dreg:$0x1] =	wrdreg $0xFFFFFFFF  }
0xb3: {  	[dreg:$0x0] =	wrdreg $0x60  }
0xb4: {  	[dreg:$0x2] =	wrdreg s15  }
0xb5: {  	[dreg:$0x3] =	wrdreg s24  }
0xb6: {  	[dreg:$0x4] =	wrdreg s16  }
0xb7: {  	[dreg:$0x5] =	wrdreg $0x9  }
0xb8: {  	_ =	task.clear_ibuf [dreg:s8], $0x6FFFF;
	_ =	strace $0x9000004C  }
0xb9: {  	s29 =	simm.s32 $0x9;
	_ =	strace $0x8000004E  }
0xba: {  	_ =	swait.ge [sflag:s29], $0x1  }
0xbb: {  	[sflag:s29] =	ssyncadd.s32 $0xFFFFFFFF  }
0xbc: {  	_ =	strace $0x9000004E  }
0xbd: {  	_ =	sfence  }
0xbe: {  	s30 =	sld [smem:$0x0];
	_ =	sdelay $0x2  }
0xbf: {  	s31 =	sshll.u32 s1, $0xD;
	s1 =	sshrl.u32 s1, $0x2  }
0xc0: {  	s3 =	sand.u32 $0x4000, s31;
	s1 =	sadd.s32 s1, s30  }
0xc1: {  	s0 =	sor.u32 s3, s0;
	s1 =	sshll.u32 s1, $0x11  }
0xc2: {  	s0 =	sor.u32 s1, s0  }
0xc3: {  	s0 =	sadd.s32 $0x8F2B, s0  }
0xc4: {  	[sflag:s0] =	ssyncadd.remote.s32 $0x1  }
0xc5: {  	_ =	sfence.sel $0xFFFF  }
0xc6: {  	[dreg:$0x0] =	wrdreg $0xFFFFFFFF;
	(pc) =	sbr.abs _section_cstart, $3  }
0xc7: {  	[dreg:$0x1] =	wrdreg $0xFFFFFFFF  }
0xc8: {  	_ =	task.clear_ibuf [dreg:s8], $0x2FFFF;
	_ =	strace $0x9FFFFFFF  }
0xc9: {  	(tm) =	ssettm $0x7FFFFFFF  }
tec
execute0_lowered:
.L_overlay_start_1:
0x0: {  	(tag) =	ssettag $0x1  }
0x1: {  	s2 =	srdreg.scid  }
0x2: {  	s1 =	rddreg [dreg:$0x0];
	s0 =	stileid.u32;
	s14 =	sand.u32 $0x1, s2  }
0x3: {  	s4 =	rddreg [dreg:$0x1];
	s29 =	sshll.u32 s0, $0xA;
	s3 =	sshll.u32 s14, $0x9  }
0x4: {  	s15 =	rddreg [dreg:$0x2];
	s16 =	sor.u32 s3, s29  }
0x5: {  	s2 =	rddreg [dreg:$0x3];
	s3 =	simm.s32 $0x0;
	s5 =	sshrl.u32 s16, $0x3  }
0x6: {  	[smem:$0x7FF] =	sst s3;
	s4 =	sadd.s32 s5, s4  }
0x7: {  	_ =	strace $0x8000004D;
	s5 =	sadd.s32 $0x2000, s4;
	s4 =	simm.s32 $0x2  }
0x8: {  	[tilespmem:s3], [sflag:$0x2] =	stream.linear.gather [hbm4b:s5+s3], $0x200, $0x38;
	[tilespmem:$0x10200] =	vst v63  }
0x9: {  	_ =	swait.ge [sflag:s4], $0x200  }
0xa: {  	[sflag:s4] =	ssyncset.done $0x0  }
0xb: {  	s6 =	simm.s32 $0x80;
	s7 =	simm.s32 $0x200;
	[sflag:s4] =	ssyncadd.s32 $0xFFFFFE00  }
0xc: {  	[tilespmem:s7], [sflag:$0x1] =	stream.indirect.gather [hbm4b:s1+s6], $0x80, s3, s6, $0xb8;
	[tilespmem:$0x10200] =	vst v63  }
0xd: {  	s8 =	simm.s32 $0x4200  }
0xe: {  	[tilespmem:s8], [sflag:$0x1] =	stream.indirect.gather [hbm4b:s1+s6], $0x80, s6, s6, $0xb8;
	[tilespmem:$0x10200] =	vst v63  }
0xf: {  	s9 =	simm.s32 $0x100;
	s10 =	simm.s32 $0x8200  }
0x10: {  	[tilespmem:s10], [sflag:$0x1] =	stream.indirect.gather [hbm4b:s1+s6], $0x80, s9, s6, $0xb8;
	[tilespmem:$0x10200] =	vst v63  }
0x11: {  	s11 =	simm.s32 $0x180;
	s12 =	simm.s32 $0xC200;
	s13 =	simm.s32 $0x1  }
0x12: {  	[tilespmem:s12], [sflag:$0x1] =	stream.indirect.gather [hbm4b:s1+s6], $0x80, s11, s6, $0xb8;
	[tilespmem:$0x10200] =	vst v63  }
0x13: {  	_ =	swait.ge [sflag:s13], $0x4000  }
0x14: {  	[sflag:s13] =	ssyncset.done $0x0  }
0x15: {  	[sflag:s13] =	ssyncadd.s32 $0xFFFFC000  }
0x16: {  	_ =	swait.ge [sflag:s13], $0x4000  }
0x17: {  	[sflag:s13] =	ssyncset.done $0x0  }
0x18: {  	s14 =	ssub.s32 $0x2, s14;
	[sflag:s13] =	ssyncadd.s32 $0xFFFFC000  }
0x19: {  	s17 =	sshrl.u32 s14, $0x1;
	_ =	swait.ge [sflag:s13], $0x4000  }
0x1a: {  	s17 =	ssub.s32 s14, s17;
	[sflag:s13] =	ssyncset.done $0x0  }
0x1b: {  	s31 =	smax.u32 s17, $0x1;
	[sflag:s13] =	ssyncadd.s32 $0xFFFFC000  }
0x1c: {  	p0 =	sne.s32 s31, $0x1;
	_ =	swait.ge [sflag:s13], $0x4000  }
.Ltmp0:
0x1d: {  	s30 =	sshll.u32 s16, $0x4;
	[sflag:s13] =	ssyncset.done $0x0;
	(pc) =	sbr.rel @!p0 .LBB2_2-.Ltmp0, $4  }
0x1e: {  	s14 =	sadd.s32 s15, s30;
	[sflag:s13] =	ssyncadd.s32 $0xFFFFC000  }
0x1f: {  	[hbm4b:s14+s3] =	stream.linear.scatter [tilespmem:s7], [sflag:$0x2], $0x10000, $0x38;
	[tilespmem:$0x10200] =	vst v63  }
0x20: {  	_ =	swait.ge [sflag:s4], $0x10000  }
0x21: {  	s15 =	sadd.s32 $0xFFFFFFFF, s31;
	[sflag:s4] =	ssyncset.done $0x0  }
.LBB2_1:
0x22: {  	p0 =	sne.s32 s15, $0x1;
	s15 =	sadd.s32 $0xFFFFFFFF, s15;
	[sflag:s4] =	ssyncadd.s32 $0xFFFF0000  }
0x23: {  	[tilespmem:s3], [sflag:$0x2] =	stream.linear.gather [hbm4b:s5+s3], $0x200, $0x38;
	[tilespmem:$0x10200] =	vst v63  }
0x24: {  	_ =	swait.ge [sflag:s4], $0x200  }
0x25: {  	[sflag:s4] =	ssyncset.done $0x0  }
0x26: {  	[sflag:s4] =	ssyncadd.s32 $0xFFFFFE00  }
0x27: {  	[tilespmem:s7], [sflag:$0x1] =	stream.indirect.gather [hbm4b:s1+s6], $0x80, s3, s6, $0xb8;
	[tilespmem:$0x10200] =	vst v63  }
0x28: {  	_ = 	snop  }
0x29: {  	[tilespmem:s8], [sflag:$0x1] =	stream.indirect.gather [hbm4b:s1+s6], $0x80, s6, s6, $0xb8;
	[tilespmem:$0x10200] =	vst v63  }
0x2a: {  	_ = 	snop  }
0x2b: {  	[tilespmem:s10], [sflag:$0x1] =	stream.indirect.gather [hbm4b:s1+s6], $0x80, s9, s6, $0xb8;
	[tilespmem:$0x10200] =	vst v63  }
0x2c: {  	_ = 	snop  }
0x2d: {  	[tilespmem:s12], [sflag:$0x1] =	stream.indirect.gather [hbm4b:s1+s6], $0x80, s11, s6, $0xb8;
	[tilespmem:$0x10200] =	vst v63  }
0x2e: {  	_ =	swait.ge [sflag:s13], $0x4000  }
0x2f: {  	[sflag:s13] =	ssyncset.done $0x0  }
0x30: {  	[sflag:s13] =	ssyncadd.s32 $0xFFFFC000  }
0x31: {  	_ =	swait.ge [sflag:s13], $0x4000  }
0x32: {  	[sflag:s13] =	ssyncset.done $0x0  }
0x33: {  	[sflag:s13] =	ssyncadd.s32 $0xFFFFC000  }
0x34: {  	_ =	swait.ge [sflag:s13], $0x4000  }
0x35: {  	[sflag:s13] =	ssyncset.done $0x0  }
0x36: {  	[sflag:s13] =	ssyncadd.s32 $0xFFFFC000  }
0x37: {  	_ =	swait.ge [sflag:s13], $0x4000  }
.Ltmp1:
0x38: {  	[sflag:s13] =	ssyncset.done $0x0;
	(pc) =	sbr.rel @p0 .LBB2_1-.Ltmp1, $4  }
0x39: {  	[sflag:s13] =	ssyncadd.s32 $0xFFFFC000  }
0x3a: {  	[hbm4b:s14+s3] =	stream.linear.scatter [tilespmem:s7], [sflag:$0x2], $0x10000, $0x38;
	[tilespmem:$0x10200] =	vst v63  }
0x3b: {  	_ =	swait.ge [sflag:s4], $0x10000  }
0x3c: {  	[sflag:s4] =	ssyncset.done $0x0  }
.LBB2_2:
0x3d: {  	[sflag:s4] =	ssyncadd.s32 $0xFFFF0000  }
0x3e: {  	_ =	sfence.sel $0x180000  }
0x3f: {  	[bflag:$0x0] =	sbarrier.arrive $0xFFFF  }
0x40: {  	p0 =	sne.s32 s0, $0x0;
	_ =	strace $0x9000004D  }
0x41: {  	s0 =	sadd.s32 @!p0 $0x100000, s2;
	[bflag:$0x2] =	sbarrier.arrive $0xFFFF  }
0x42: {  	[sflag:s0] =	ssyncadd.tile.s32 @!p0 $0x1;
	_ =	shalt  }
.Lfunc_end2:
_tile_overlayer_lowered:
.L_overlay_start_2:
0x43: {  	(tag) =	ssettag $0x2  }
0x44: {  	s0 =	rddreg [dreg:$0x0];
	s2 =	stileid.u32  }
0x45: {  	s1 =	rddreg [dreg:$0x1];
	p0 =	sne.s32 s2, $0x0  }
0x46: {  	s3 =	rddreg [dreg:$0x2];
	[bflag:$0x3] =	sbarrier.arrive $0xFFFF;
	s2 =	simm.s32 @!p0 $0x1C02  }
0x47: {  	[timem:s3], [sflag:s2] =	dma.local @!p0 [hbm:s0], s1  }
0x48: {  	s0 =	simm.s32 @!p0 $0x2  }
0x49: {  	_ =	swait.ge @!p0 [sflag:s0], s1  }
0x4a: {  	s1 =	ssub.s32 @!p0 $0x0, s1;
	[sflag:s0] =	ssyncset.done @!p0 $0x0  }
0x4b: {  	[sflag:s0] =	ssyncadd.s32 @!p0 s1  }
0x4c: {  	[bflag:$0x3] =	sbarrier.arrive $0xFFFF  }
0x4d: {  	_ =	shalt  }

// kernel: kernel.7.cloned.1.call-start
scs
__scs_entry_jumppad:
0x0: {  	(pc) =	sbr.rel $0x88, $3  }
0x1: {  	(tag) =	ssettag $0x0;
	lr =	simm.s32 $0x1  }
0x2: {  	[smem:$0x3F9C] =	sst lr;
	_ =	strace $0xD0000000  }
0x3: {  	_ = 	snop  }
0x4: {  	_ = 	snop  }
0x5: {  	_ = 	snop  }
0x6: {  	_ = 	snop  }
0x7: {  	_ = 	snop  }
__scs_overlays_trampoline_lowered:
0x8: {  	[smem:$0x3FAB] =	sst s0  }
0x9: {  	[smem:$0x3FAC] =	sst s1  }
0xa: {  	[smem:$0x3FAD] =	sst s2  }
0xb: {  	[smem:$0x3FAE] =	sst s3  }
0xc: {  	[smem:$0x3FAF] =	sst s4  }
0xd: {  	[smem:$0x3FB0] =	sst s5  }
0xe: {  	[smem:$0x3FB1] =	sst s6  }
0xf: {  	[smem:$0x3FB2] =	sst s7  }
0x10: {  	[smem:$0x3FB3] =	sst s8  }
0x11: {  	[smem:$0x3FB4] =	sst s9;
	s0 =	simm.s32 @!p0 $0x0  }
0x12: {  	s1 =	sld [smem:$0x3F9A];
	s0 =	simm.s32 @p0 $0x1  }
0x13: {  	[smem:$0x3FB5] =	sst s0;
	s0 =	simm.s32 @!p1 $0x0  }
0x14: {  	s2 =	sld [smem:$0x3F99];
	s0 =	simm.s32 @p1 $0x1  }
0x15: {  	[smem:$0x3FB6] =	sst s0;
	s0 =	simm.s32 @!p2 $0x0  }
0x16: {  	s3 =	sld [smem:$0x3FDB];
	s0 =	simm.s32 @p2 $0x1  }
0x17: {  	s4 =	simm.s32 $0x1BF5;
	[smem:$0x3FB8] =	sst s0  }
0x18: {  	s0 =	sld [smem:$0x3F9B];
	_ =	swait.ge [sflag:s4], $0x0  }
0x19: {  	s7 =	sld [smem:$0x3F9C]  }
0x1a: {  	s8 =	sadd.s32 $0xFFFFE003, lr  }
0x1b: {  	s9 =	sadd.s32 $0xFFFFFEF7, lr;
	s5 =	simm.s32 $0xFFFFFFFF;
	p2 =	slt.u32 s8, $0xFFFFF086  }
0x1c: {  	p1 =	slt.u32 s9, $0xF7A;
	s5 =	simm.s32 @!p2 $0x0  }
0x1d: {  	s5 =	simm.s32 @p1 $0x1;
	p0 =	seq.s32 s7, s2  }
0x1e: {  	s7 =	smul.u32 @!p0 $0xF7A, s2;
	p2 =	seq.s32 @!p0 s5, $0x0  }
0x1f: {  	s9 =	smul.u32 $0xF7A, s1;
	s8 =	simm.s32 @!p0 $0x1BF5;
	p2 =	por !p2, p0  }
0x20: {  	[sflag:s8] =	ssyncset.s32 @!p0 $0xFFFFF086;
	s6 =	sadd.s32 @!p0 s3, s7;
	s7 =	simm.s32 @!p0 $0x108  }
0x21: {  	s3 =	sadd.s32 s3, s9;
	s6 =	sadd.s32 @!p0 $0x88, s6;
	s7 =	simm.s32 @p2 $0x1082  }
0x22: {  	[simem:s7], [sflag:s8] =	dma.local @!p0 [hbm:s6], $0xF7A  }
0x23: {  	s9 =	sor.u32 $0xD0000000, s2;
	s6 =	simm.s32 $0x108;
	_ =	swait.ge @!p0 [sflag:s8], $0x0  }
0x24: {  	s3 =	sadd.s32 $0x88, s3;
	s6 =	simm.s32 @!p1 $0x1082;
	[sflag:s4] =	ssyncset.s32 $0xFFFFF086  }
0x25: {  	[simem:s6], [sflag:s4] =	dma.local [hbm:s3], $0xF7A  }
0x26: {  	[smem:$0x3F9C] =	sst s1;
	(tag) =	ssettag s2;
	_ =	strace s9  }
0x27: {  	s1 =	sld [smem:$0x3FAC]  }
0x28: {  	s2 =	sld [smem:$0x3FAD]  }
0x29: {  	s4 =	sld [smem:$0x3FAF]  }
0x2a: {  	p0 =	seq.s32 s5, $0x0;
	s5 =	sld [smem:$0x3FB0]  }
0x2b: {  	s6 =	sld [smem:$0x3FB1]  }
0x2c: {  	s7 =	sld [smem:$0x3FB2]  }
0x2d: {  	s3 =	simm.s32 $0x108;
	s8 =	sld [smem:$0x3FB3]  }
0x2e: {  	s3 =	simm.s32 @!p0 $0x1082;
	s9 =	sld [smem:$0x3FB4]  }
0x2f: {  	lr =	sadd.s32 s0, s3;
	s0 =	sld [smem:$0x3FAB]  }
0x30: {  	s3 =	sld [smem:$0x3FAE]  }
0x31: {  	[smem:$0x3FB7] =	sst s10  }
0x32: {  	s10 =	sld [smem:$0x3FB5];
	_ =	sdelay $0x3  }
0x33: {  	p0 =	seq.s32 s10, $0x1;
	s10 =	sld [smem:$0x3FB7];
	_ =	sdelay $0x3  }
0x34: {  	[smem:$0x3FB7] =	sst s10  }
0x35: {  	s10 =	sld [smem:$0x3FB6];
	_ =	sdelay $0x3  }
0x36: {  	p1 =	seq.s32 s10, $0x1;
	s10 =	sld [smem:$0x3FB7];
	_ =	sdelay $0x3  }
0x37: {  	[smem:$0x3FB7] =	sst s10  }
0x38: {  	s10 =	sld [smem:$0x3FB8]  }
0x39: {  	_ = 	snop;
	(pc) =	sbr.ind lr, $3  }
0x3a: {  	_ = 	snop  }
0x3b: {  	_ = 	snop  }
0x3c: {  	p2 =	seq.s32 s10, $0x1;
	s10 =	sld [smem:$0x3FB7]  }
0x3d: {  	_ =	shalt  }
0x3e: {  	_ =	shalt  }
0x3f: {  	_ =	shalt  }
0x40: {  	_ =	shalt  }
0x41: {  	_ =	shalt  }
0x42: {  	_ =	shalt  }
0x43: {  	_ =	shalt  }
0x44: {  	_ =	shalt  }
0x45: {  	_ =	shalt  }
0x46: {  	_ =	shalt  }
0x47: {  	_ =	shalt  }
0x48: {  	_ =	shalt  }
0x49: {  	_ =	shalt  }
0x4a: {  	_ =	shalt  }
0x4b: {  	_ =	shalt  }
0x4c: {  	_ =	shalt  }
0x4d: {  	_ =	shalt  }
0x4e: {  	_ =	shalt  }
0x4f: {  	_ =	shalt  }
0x50: {  	_ =	shalt  }
0x51: {  	_ =	shalt  }
0x52: {  	_ =	shalt  }
0x53: {  	_ =	shalt  }
0x54: {  	_ =	shalt  }
0x55: {  	_ =	shalt  }
0x56: {  	_ =	shalt  }
0x57: {  	_ =	shalt  }
0x58: {  	_ =	shalt  }
0x59: {  	_ =	shalt  }
0x5a: {  	_ =	shalt  }
0x5b: {  	_ =	shalt  }
0x5c: {  	_ =	shalt  }
0x5d: {  	_ =	shalt  }
0x5e: {  	_ =	shalt  }
0x5f: {  	_ =	shalt  }
0x60: {  	_ =	shalt  }
0x61: {  	_ =	shalt  }
0x62: {  	_ =	shalt  }
0x63: {  	_ =	shalt  }
0x64: {  	_ =	shalt  }
0x65: {  	_ =	shalt  }
0x66: {  	_ =	shalt  }
0x67: {  	_ =	shalt  }
0x68: {  	_ =	shalt  }
0x69: {  	_ =	shalt  }
0x6a: {  	_ =	shalt  }
0x6b: {  	_ =	shalt  }
0x6c: {  	_ =	shalt  }
0x6d: {  	_ =	shalt  }
0x6e: {  	_ =	shalt  }
0x6f: {  	_ =	shalt  }
0x70: {  	_ =	shalt  }
0x71: {  	_ =	shalt  }
0x72: {  	_ =	shalt  }
0x73: {  	_ =	shalt  }
0x74: {  	_ =	shalt  }
0x75: {  	_ =	shalt  }
0x76: {  	_ =	shalt  }
0x77: {  	_ =	shalt  }
0x78: {  	_ =	shalt  }
0x79: {  	_ =	shalt  }
0x7a: {  	_ =	shalt  }
0x7b: {  	_ =	shalt  }
0x7c: {  	_ =	shalt  }
0x7d: {  	_ =	shalt  }
0x7e: {  	_ =	shalt  }
0x7f: {  	_ =	shalt  }
0x80: {  	_ =	shalt  }
0x81: {  	_ =	shalt  }
0x82: {  	_ =	shalt  }
0x83: {  	_ =	shalt  }
0x84: {  	_ =	shalt  }
0x85: {  	_ =	shalt  }
0x86: {  	_ =	shalt  }
0x87: {  	_ =	shalt  }
.Lfunc_end0:
.L_simem_size_0:
called_computation.1_lowered:
.L_overlay_start_0:
0x88: {  	s2 =	sld [smem:$0x3FD9]  }
0x89: {  	s3 =	sld [smem:$0x3FFE];
	_ =	sdelay $0x1  }
0x8a: {  	s1 =	srdreg.scid  }
0x8b: {  	s0 =	sand.u32 $0x1, s1  }
0x8c: {  	s14 =	sshll.u32 s0, $0xA;
	s2 =	sadd.s32 s3, s2  }
0x8d: {  	s2 =	sadd.s32 s2, s14  }
0x8e: {  	[smem:$0x3FC3] =	sst s2  }
0x8f: {  	_ = 	snop  }
0x90: {  	s2 =	sld [smem:$0x3FD0];
	_ =	sdelay $0x2  }
0x91: {  	s15 =	simm.s32 $0xA;
	s4 =	simm.s32 $0x10  }
0x92: {  	[smem:s4], [sflag:s15] =	dma.local [hbm:s2], $0x1  }
0x93: {  	_ =	swait.eq [sflag:s15], $0x1  }
0x94: {  	[sflag:s15] =	ssyncset.done $0x0  }
0x95: {  	[sflag:s15] =	ssyncadd.s32 $0xFFFFFFFF  }
0x96: {  	s16 =	sld [smem:$0x10];
	(tm) =	ssettm $0x1  }
0x97: {  	s17 =	sld [smem:$0x3FFB];
	_ =	sdelay $0x3  }
0x98: {  	_ =	strace s17  }
0x99: {  	s3 =	sld [smem:$0x3FFC];
	_ =	sdelay $0x3  }
0x9a: {  	_ =	strace s3  }
0x9b: {  	s3 =	sld [smem:$0x3FFD];
	_ =	sdelay $0x3  }
0x9c: {  	_ =	strace s3  }
0x9d: {  	_ =	strace $0x8FFFFFFF  }
0x9e: {  	s18 =	sld [smem:$0x3FDB];
	_ =	sdelay $0x1  }
0x9f: {  	s19 =	simm.s32 $_scs_section_size  }
0xa0: {  	s5 =	simm.s32 $_size__tile_overlayer_lowered;
	s6 =	simm.s32 $_tile_overlayer_lowered  }
0xa1: {  	s22 =	simm.s32 $0x1BFF;
	s21 =	sshll.u32 s6, $0x1;
	s3 =	sadd.s32 s19, s18  }
0xa2: {  	s7 =	simm.s32 $0x0;
	s20 =	sshll.u32 s5, $0x1;
	s5 =	sadd.s32 s21, s3  }
0xa3: {  	[timem:s7], [sflag:s22] =	dma.local [hbm:s5], s20  }
0xa4: {  	_ =	swait.ge [sflag:s22], s20  }
0xa5: {  	s4 =	ssub.s32 $0x0, s20;
	[sflag:s22] =	ssyncset.done $0x0  }
0xa6: {  	[sflag:s22] =	ssyncadd.s32 s4;
	_ =	sdelay $0x1  }
0xa7: {  	s23 =	simm.s32 $0x1B8B  }
0xa8: {  	_ =	swait.ge [sflag:s23], $0x1  }
0xa9: {  	[sflag:s23] =	ssyncset.done $0x0  }
0xaa: {  	s25 =	simm.s32 $0x1B8E;
	s24 =	sld [smem:$0x3FFE];
	[sflag:s23] =	ssyncadd.s32 $0xFFFFFFFF  }
0xab: {  	s26 =	simm.s32 $execute0_lowered;
	[smem:$0x3FD2] =	sst s25  }
0xac: {  	s5 =	sshll.u32 s26, $0x1;
	_ =	strace $0x80000049;
	[dreg:$0x1] =	wrdreg $0xFFFFFFFF  }
0xad: {  	s28 =	simm.s32 $_size_execute0_lowered;
	s3 =	sadd.s32 s3, s5;
	[dreg:$0x0] =	wrdreg $0x0  }
0xae: {  	s5 =	sshll.u32 s28, $0x1;
	[dreg:$0x2] =	wrdreg s3  }
0xaf: {  	[dreg:$0x3] =	wrdreg s5  }
0xb0: {  	[dreg:$0x4] =	wrdreg $0xC0  }
0xb1: {  	_ =	task [dreg:s7], $0x5FFFF  }
0xb2: {  	[dreg:$0x1] =	wrdreg $0xFFFFFFFF  }
0xb3: {  	[dreg:$0x0] =	wrdreg $0x60  }
0xb4: {  	[dreg:$0x2] =	wrdreg s24  }
0xb5: {  	[dreg:$0x3] =	wrdreg s16  }
0xb6: {  	[dreg:$0x4] =	wrdreg $0x9  }
0xb7: {  	_ =	task.clear_ibuf [dreg:s7], $0x5FFFF;
	_ =	strace $0x90000049  }
0xb8: {  	s29 =	simm.s32 $0x9;
	_ =	strace $0x8000004B  }
0xb9: {  	_ =	swait.ge [sflag:s29], $0x1  }
0xba: {  	[sflag:s29] =	ssyncadd.s32 $0xFFFFFFFF  }
0xbb: {  	_ =	strace $0x9000004B  }
0xbc: {  	_ =	sfence  }
0xbd: {  	s30 =	sld [smem:$0x0];
	_ =	sdelay $0x2  }
0xbe: {  	s31 =	sshll.u32 s1, $0xD;
	s1 =	sshrl.u32 s1, $0x2  }
0xbf: {  	s3 =	sand.u32 $0x4000, s31;
	s1 =	sadd.s32 s1, s30  }
0xc0: {  	s0 =	sor.u32 s3, s0;
	s1 =	sshll.u32 s1, $0x11  }
0xc1: {  	s0 =	sor.u32 s1, s0  }
0xc2: {  	s0 =	sadd.s32 $0x8F2B, s0  }
0xc3: {  	[sflag:s0] =	ssyncadd.remote.s32 $0x1  }
0xc4: {  	_ =	sfence.sel $0xFFFF  }
0xc5: {  	[dreg:$0x0] =	wrdreg $0xFFFFFFFF;
	(pc) =	sbr.abs _section_cstart, $3  }
0xc6: {  	[dreg:$0x1] =	wrdreg $0xFFFFFFFF  }
0xc7: {  	_ =	task.clear_ibuf [dreg:s7], $0x2FFFF;
	_ =	strace $0x9FFFFFFF  }
0xc8: {  	(tm) =	ssettm $0x7FFFFFFF  }
0xc9: {  	_ =	shalt  }
tec
execute0_lowered:
.L_overlay_start_1:
0x0: {  	(tag) =	ssettag $0x1  }
0x1: {  	s4 =	rddreg [dreg:$0x0]  }
0x2: {  	s5 =	rddreg [dreg:$0x1]  }
0x3: {  	s0 =	rddreg [dreg:$0x2];
	s2 =	simm.s32 $0x0;
	s3 =	srdreg.scid  }
0x4: {  	s1 =	stileid.u32;
	s9 =	simm.s32 $0x1000;
	s10 =	simm.s32 $0x1080  }
0x5: {  	s11 =	simm.s32 $0x1100;
	s12 =	simm.s32 $0x1180;
	s13 =	simm.s32 $0x1  }
0x6: {  	s14 =	simm.s32 $0x0;
	[smem:$0x7FF] =	sst s2;
	s3 =	sand.u32 $0x1, s3  }
0x7: {  	s6 =	sshll.u32 s1, $0xD;
	s7 =	sshll.u32 s3, $0xC;
	s8 =	ssub.s32 $0x2, s3  }
0x8: {  	_ =	strace $0x8000004A;
	s6 =	sor.u32 s7, s6;
	s30 =	sshrl.u32 s8, $0x1  }
0x9: {  	s3 =	sadd.s32 $0xF52000, s4;
	s6 =	sshrl.u32 s6, $0x3;
	s7 =	ssub.s32 s8, s30  }
0xa: {  	s8 =	simm.s32 $0x80;
	s31 =	sadd.s32 s6, s4;
	s4 =	sadd.s32 s5, s6  }
0xb: {  	s5 =	smax.u32 s7, $0x1;
	s7 =	simm.s32 $0x2;
	s6 =	sadd.s32 $0x6000, s31  }
.LBB2_1:
0xc: {  	[tilespmem:s2], [sflag:$0x2] =	stream.linear.gather [hbm4b:s4+s2], $0x1000, $0x38;
	[tilespmem:$0x1200] =	vst v63  }
0xd: {  	_ =	swait.ge [sflag:s7], $0x1000  }
0xe: {  	[sflag:s7] =	ssyncset.done $0x0  }
0xf: {  	s15 =	simm.s32 $0x0;
	[sflag:s7] =	ssyncadd.s32 $0xFFFFF000  }
0x10: {  	[tilespmem:s9], [sflag:$0x1] =	stream.indirect.gather [hbm4b:s3+s8], $0x1, s15, s8, $0xb8;
	[tilespmem:$0x1200] =	vst v63  }
0x11: {  	s28 =	simm.s32 $0x80  }
0x12: {  	[tilespmem:s10], [sflag:$0x1] =	stream.indirect.gather [hbm4b:s3+s8], $0x1, s28, s8, $0xb8;
	[tilespmem:$0x1200] =	vst v63  }
0x13: {  	s29 =	simm.s32 $0x100  }
0x14: {  	[tilespmem:s11], [sflag:$0x1] =	stream.indirect.gather [hbm4b:s3+s8], $0x1, s29, s8, $0xb8;
	[tilespmem:$0x1200] =	vst v63  }
0x15: {  	s30 =	simm.s32 $0x180  }
0x16: {  	[tilespmem:s12], [sflag:$0x1] =	stream.indirect.gather [hbm4b:s3+s8], $0x1, s30, s8, $0xb8;
	[tilespmem:$0x1200] =	vst v63  }
0x17: {  	_ =	swait.ge [sflag:s13], $0x80  }
0x18: {  	[sflag:s13] =	ssyncset.done $0x0  }
0x19: {  	[sflag:s13] =	ssyncadd.s32 $0xFFFFFF80  }
0x1a: {  	_ =	swait.ge [sflag:s13], $0x80  }
0x1b: {  	[sflag:s13] =	ssyncset.done $0x0  }
0x1c: {  	[sflag:s13] =	ssyncadd.s32 $0xFFFFFF80  }
0x1d: {  	_ =	swait.ge [sflag:s13], $0x80  }
0x1e: {  	[sflag:s13] =	ssyncset.done $0x0  }
0x1f: {  	[sflag:s13] =	ssyncadd.s32 $0xFFFFFF80  }
0x20: {  	_ =	swait.ge [sflag:s13], $0x80  }
0x21: {  	[sflag:s13] =	ssyncset.done $0x0  }
0x22: {  	s31 =	sadd.s32 $0x0, s6;
	[sflag:s13] =	ssyncadd.s32 $0xFFFFFF80  }
0x23: {  	[hbm4b:s31+s2] =	stream.linear.scatter [tilespmem:s9], [sflag:$0x2], $0x200, $0x38;
	[tilespmem:$0x1200] =	vst v63  }
0x24: {  	s17 =	simm.s32 $0x80;
	_ =	swait.ge [sflag:s7], $0x200  }
0x25: {  	s16 =	simm.s32 $0x380;
	s15 =	simm.s32 $0x40;
	[sflag:s7] =	ssyncset.done $0x0  }
.LBB2_2:
0x26: {  	p0 =	sne.s32 s17, $0x1C0;
	s18 =	sadd.s32 $0xFFFFFE80, s16;
	[sflag:s7] =	ssyncadd.s32 $0xFFFFFE00  }
0x27: {  	[tilespmem:s9], [sflag:$0x1] =	stream.indirect.gather [hbm4b:s3+s8], $0x1, s18, s8, $0xb8;
	[tilespmem:$0x1200] =	vst v63  }
0x28: {  	s19 =	smov.u32 s17;
	s17 =	sadd.s32 $0x40, s17;
	s18 =	sadd.s32 $0xFFFFFF00, s16  }
0x29: {  	[tilespmem:s10], [sflag:$0x1] =	stream.indirect.gather [hbm4b:s3+s8], $0x1, s18, s8, $0xb8;
	[tilespmem:$0x1200] =	vst v63  }
0x2a: {  	s18 =	sadd.s32 $0xFFFFFF80, s16  }
0x2b: {  	[tilespmem:s11], [sflag:$0x1] =	stream.indirect.gather [hbm4b:s3+s8], $0x1, s18, s8, $0xb8;
	[tilespmem:$0x1200] =	vst v63  }
0x2c: {  	_ = 	snop  }
0x2d: {  	[tilespmem:s12], [sflag:$0x1] =	stream.indirect.gather [hbm4b:s3+s8], $0x1, s16, s8, $0xb8;
	[tilespmem:$0x1200] =	vst v63  }
0x2e: {  	_ =	swait.ge [sflag:s13], $0x80  }
0x2f: {  	[sflag:s13] =	ssyncset.done $0x0  }
0x30: {  	[sflag:s13] =	ssyncadd.s32 $0xFFFFFF80  }
0x31: {  	_ =	swait.ge [sflag:s13], $0x80  }
0x32: {  	[sflag:s13] =	ssyncset.done $0x0  }
0x33: {  	[sflag:s13] =	ssyncadd.s32 $0xFFFFFF80  }
0x34: {  	_ =	swait.ge [sflag:s13], $0x80  }
0x35: {  	[sflag:s13] =	ssyncset.done $0x0  }
0x36: {  	[sflag:s13] =	ssyncadd.s32 $0xFFFFFF80  }
0x37: {  	_ =	swait.ge [sflag:s13], $0x80  }
.Ltmp0:
0x38: {  	[sflag:s13] =	ssyncset.done $0x0;
	(pc) =	sbr.rel @p0 .LBB2_2-.Ltmp0, $4  }
0x39: {  	s18 =	sadd.s32 s15, s6;
	s15 =	smov.u32 s19;
	[sflag:s13] =	ssyncadd.s32 $0xFFFFFF80  }
0x3a: {  	[hbm4b:s18+s2] =	stream.linear.scatter [tilespmem:s9], [sflag:$0x2], $0x200, $0x38;
	[tilespmem:$0x1200] =	vst v63  }
0x3b: {  	_ =	swait.ge [sflag:s7], $0x200  }
0x3c: {  	s16 =	sadd.s32 $0x200, s16;
	[sflag:s7] =	ssyncset.done $0x0  }
0x3d: {  	s17 =	sadd.s32 $0xFFFFFE80, s16;
	[sflag:s7] =	ssyncadd.s32 $0xFFFFFE00  }
0x3e: {  	[tilespmem:s9], [sflag:$0x1] =	stream.indirect.gather [hbm4b:s3+s8], $0x1, s17, s8, $0xb8;
	[tilespmem:$0x1200] =	vst v63  }
0x3f: {  	s30 =	sadd.s32 $0xFFFFFF00, s16  }
0x40: {  	[tilespmem:s10], [sflag:$0x1] =	stream.indirect.gather [hbm4b:s3+s8], $0x1, s30, s8, $0xb8;
	[tilespmem:$0x1200] =	vst v63  }
0x41: {  	s31 =	sadd.s32 $0xFFFFFF80, s16  }
0x42: {  	[tilespmem:s11], [sflag:$0x1] =	stream.indirect.gather [hbm4b:s3+s8], $0x1, s31, s8, $0xb8;
	[tilespmem:$0x1200] =	vst v63  }
0x43: {  	_ = 	snop  }
0x44: {  	[tilespmem:s12], [sflag:$0x1] =	stream.indirect.gather [hbm4b:s3+s8], $0x1, s16, s8, $0xb8;
	[tilespmem:$0x1200] =	vst v63  }
0x45: {  	_ =	swait.ge [sflag:s13], $0x80  }
0x46: {  	[sflag:s13] =	ssyncset.done $0x0  }
0x47: {  	[sflag:s13] =	ssyncadd.s32 $0xFFFFFF80  }
0x48: {  	_ =	swait.ge [sflag:s13], $0x80  }
0x49: {  	[sflag:s13] =	ssyncset.done $0x0  }
0x4a: {  	[sflag:s13] =	ssyncadd.s32 $0xFFFFFF80  }
0x4b: {  	_ =	swait.ge [sflag:s13], $0x80  }
0x4c: {  	[sflag:s13] =	ssyncset.done $0x0  }
0x4d: {  	[sflag:s13] =	ssyncadd.s32 $0xFFFFFF80  }
0x4e: {  	s14 =	sadd.s32 $0x1, s14;
	_ =	swait.ge [sflag:s13], $0x80  }
0x4f: {  	p0 =	sne.s32 s14, s5;
	[sflag:s13] =	ssyncset.done $0x0  }
.Ltmp1:
0x50: {  	s15 =	sadd.s32 s15, s6;
	[sflag:s13] =	ssyncadd.s32 $0xFFFFFF80;
	(pc) =	sbr.rel @p0 .LBB2_1-.Ltmp1, $4  }
0x51: {  	[hbm4b:s15+s2] =	stream.linear.scatter [tilespmem:s9], [sflag:$0x2], $0x200, $0x38;
	[tilespmem:$0x1200] =	vst v63  }
0x52: {  	_ =	swait.ge [sflag:s7], $0x200  }
0x53: {  	[sflag:s7] =	ssyncset.done $0x0  }
0x54: {  	[sflag:s7] =	ssyncadd.s32 $0xFFFFFE00  }
0x55: {  	_ =	sfence.sel $0x180000  }
0x56: {  	[bflag:$0x0] =	sbarrier.arrive $0xFFFF  }
0x57: {  	p0 =	sne.s32 s1, $0x0;
	_ =	strace $0x9000004A  }
0x58: {  	s0 =	sadd.s32 @!p0 $0x100000, s0;
	[bflag:$0x2] =	sbarrier.arrive $0xFFFF  }
0x59: {  	[sflag:s0] =	ssyncadd.tile.s32 @!p0 $0x1;
	_ =	shalt  }
.Lfunc_end2:
_tile_overlayer_lowered:
.L_overlay_start_2:
0x5a: {  	(tag) =	ssettag $0x2  }
0x5b: {  	s0 =	rddreg [dreg:$0x0];
	s2 =	stileid.u32  }
0x5c: {  	s1 =	rddreg [dreg:$0x1];
	p0 =	sne.s32 s2, $0x0  }
0x5d: {  	s3 =	rddreg [dreg:$0x2];
	[bflag:$0x3] =	sbarrier.arrive $0xFFFF;
	s2 =	simm.s32 @!p0 $0x1C02  }
0x5e: {  	[timem:s3], [sflag:s2] =	dma.local @!p0 [hbm:s0], s1  }
0x5f: {  	s0 =	simm.s32 @!p0 $0x2  }
0x60: {  	_ =	swait.ge @!p0 [sflag:s0], s1  }
0x61: {  	s1 =	ssub.s32 @!p0 $0x0, s1;
	[sflag:s0] =	ssyncset.done @!p0 $0x0  }
0x62: {  	[sflag:s0] =	ssyncadd.s32 @!p0 s1  }
0x63: {  	[bflag:$0x3] =	sbarrier.arrive $0xFFFF  }
0x64: {  	_ =	shalt  }

// kernel: sparse-core-data-format-call.cloned.1.call-start
scs
called_computation_lowered:
.L_overlay_start_0:
0x0: {  	s1 =	sld [smem:$0x3FD9]  }
0x1: {  	s2 =	sld [smem:$0x3FFE];
	_ =	sdelay $0x1  }
0x2: {  	s3 =	srdreg.scid  }
0x3: {  	s0 =	sand.u32 $0x1, s3  }
0x4: {  	s17 =	sshll.u32 s0, $0xA;
	s1 =	sadd.s32 s2, s1  }
0x5: {  	s1 =	sadd.s32 s1, s17  }
0x6: {  	[smem:$0x3FC3] =	sst s1  }
0x7: {  	_ = 	snop  }
0x8: {  	(tm) =	ssettm $0x1  }
0x9: {  	s18 =	sld [smem:$0x3FFB];
	_ =	sdelay $0x3  }
0xa: {  	_ =	strace s18  }
0xb: {  	s1 =	sld [smem:$0x3FFC];
	_ =	sdelay $0x3  }
0xc: {  	_ =	strace s1  }
0xd: {  	s1 =	sld [smem:$0x3FFD];
	_ =	sdelay $0x3  }
0xe: {  	_ =	strace s1  }
0xf: {  	_ =	strace $0x8FFFFFFF  }
0x10: {  	s19 =	sld [smem:$0x3FDB];
	_ =	sdelay $0x1  }
0x11: {  	s20 =	simm.s32 $_scs_section_size  }
0x12: {  	s4 =	simm.s32 $_size__tile_overlayer_lowered;
	s5 =	simm.s32 $_tile_overlayer_lowered  }
0x13: {  	s23 =	simm.s32 $0x1BFF;
	s22 =	sshll.u32 s5, $0x1;
	s1 =	sadd.s32 s20, s19  }
0x14: {  	s6 =	simm.s32 $0x0;
	s21 =	sshll.u32 s4, $0x1;
	s4 =	sadd.s32 s22, s1  }
0x15: {  	[timem:s6], [sflag:s23] =	dma.local [hbm:s4], s21  }
0x16: {  	_ =	swait.ge [sflag:s23], s21  }
0x17: {  	s2 =	ssub.s32 $0x0, s21;
	[sflag:s23] =	ssyncset.done $0x0  }
0x18: {  	[sflag:s23] =	ssyncadd.s32 s2;
	_ =	sdelay $0x1  }
0x19: {  	s24 =	simm.s32 $0x1B8B  }
0x1a: {  	_ =	swait.ge [sflag:s24], $0x1  }
0x1b: {  	[sflag:s24] =	ssyncset.done $0x0  }
0x1c: {  	s26 =	simm.s32 $0x1B8E;
	s25 =	sld [smem:$0x3FFE];
	[sflag:s24] =	ssyncadd.s32 $0xFFFFFFFF  }
0x1d: {  	s27 =	simm.s32 $execute0_lowered;
	[smem:$0x3FD2] =	sst s26  }
0x1e: {  	s4 =	sshll.u32 s27, $0x1;
	_ =	strace $0x80000046;
	[dreg:$0x1] =	wrdreg $0xFFFFFFFF  }
0x1f: {  	s28 =	simm.s32 $_size_execute0_lowered;
	s1 =	sadd.s32 s1, s4;
	[dreg:$0x0] =	wrdreg $0x0  }
0x20: {  	s4 =	sshll.u32 s28, $0x1;
	[dreg:$0x2] =	wrdreg s1  }
0x21: {  	[dreg:$0x3] =	wrdreg s4  }
0x22: {  	[dreg:$0x4] =	wrdreg $0xC0  }
0x23: {  	_ =	task [dreg:s6], $0x5FFFF  }
0x24: {  	[dreg:$0x1] =	wrdreg $0xFFFFFFFF  }
0x25: {  	[dreg:$0x0] =	wrdreg $0x60  }
0x26: {  	[dreg:$0x2] =	wrdreg s25  }
0x27: {  	[dreg:$0x3] =	wrdreg $0x9  }
0x28: {  	_ =	task.clear_ibuf [dreg:s6], $0x4FFFF;
	_ =	strace $0x90000046  }
0x29: {  	s29 =	simm.s32 $0x9;
	_ =	strace $0x80000048  }
0x2a: {  	_ =	swait.ge [sflag:s29], $0x1  }
0x2b: {  	[sflag:s29] =	ssyncadd.s32 $0xFFFFFFFF  }
0x2c: {  	_ =	strace $0x90000048  }
0x2d: {  	_ =	sfence  }
0x2e: {  	s30 =	sld [smem:$0x0];
	_ =	sdelay $0x2  }
0x2f: {  	s31 =	sshll.u32 s3, $0xD;
	s3 =	sshrl.u32 s3, $0x2  }
0x30: {  	s2 =	sand.u32 $0x4000, s31;
	s1 =	sadd.s32 s3, s30  }
0x31: {  	s0 =	sor.u32 s2, s0;
	s1 =	sshll.u32 s1, $0x11  }
0x32: {  	s0 =	sor.u32 s1, s0  }
0x33: {  	s0 =	sadd.s32 $0x8F2B, s0  }
0x34: {  	[sflag:s0] =	ssyncadd.remote.s32 $0x1  }
0x35: {  	_ =	sfence.sel $0xFFFF  }
0x36: {  	[dreg:$0x0] =	wrdreg $0xFFFFFFFF;
	(pc) =	sbr.abs _section_cstart, $3  }
0x37: {  	[dreg:$0x1] =	wrdreg $0xFFFFFFFF  }
0x38: {  	_ =	task.clear_ibuf [dreg:s6], $0x2FFFF;
	_ =	strace $0x9FFFFFFF  }
0x39: {  	(tm) =	ssettm $0x7FFFFFFF  }
tec
execute0_lowered:
.L_overlay_start_1:
0x0: {  	(tag) =	ssettag $0x1  }
0x1: {  	s0 =	srdreg.scid  }
0x2: {  	s1 =	sshll.u32 s0, $0x4  }
0x3: {  	s4 =	rddreg [dreg:$0x0];
	s0 =	stileid.u32;
	s1 =	sand.u32 $0x10, s1  }
0x4: {  	s7 =	simm.s32 $0x1;
	s8 =	simm.s32 $0x2;
	s1 =	sor.u32 s0, s1  }
0x5: {  	s9 =	simm.s32 $0x0;
	s12 =	simm.s32 $0x0;
	s2 =	sshll.u32 s1, $0x1  }
0x6: {  	s11 =	simm.s32 $0x0;
	s3 =	sadd.s32 $0x312000, s4;
	s6 =	ssub.s32 $0x3100, s2  }
.Ltmp0:
0x7: {  	s4 =	sadd.s32 $0xF52000, s4;
	s5 =	sand.u32 $0x3E, s6;
	(pc) =	sbr.rel .LBB1_1-.Ltmp0, $4  }
0x8: {  	s1 =	rddreg [dreg:$0x1];
	_ =	strace $0x80000047;
	p0 =	sne.s32 s5, $0x0  }
0x9: {  	s6 =	sshrl.u32 s6, $0x6;
	s5 =	simm.s32 $0x1;
	s7 =	simm.s32 @!p0 $0x0  }
0xa: {  	s10 =	smov.u32 s2;
	[sflag:s5] =	ssyncpa.u1 $0x0;
	s6 =	sadd.s32 s7, s6  }
0xb: {  	[sflag:s8] =	ssyncpa.u1 $0x0;
	s8 =	simm.s32 $0x0;
	s7 =	sadd.s32 $0x1, s6  }
.LBB1_9:
0xc: {  	s14 =	sadd.s32 $0x40, s10  }
0xd: {  	p1 =	sgt.s32 s14, $0x30FF  }
0xe: {  	s14 =	smov.u32 @p1 s2;
	p1 =	sne.s32 s11, s7  }
.Ltmp1:
0xf: {  	p0 =	slt.u32 s11, $0x2;
	(pc) =	sbr.rel @!p1 .LBB1_10-.Ltmp1, $4  }
0x10: {  	s13 =	simm.s32 @!p0 $0x2  }
0x11: {  	s15 =	sadd.s32 $0x1, s11;
	_ =	swait.ge @!p0 [sflag:s13], $0x4000  }
0x12: {  	s12 =	smov.u32 s10;
	s9 =	sadd.s32 $0x4000, s9;
	[sflag:s13] =	ssyncset.done @!p0 $0x0  }
0x13: {  	s11 =	smov.u32 s15;
	s10 =	smov.u32 s14;
	[sflag:s13] =	ssyncadd.s32 @!p0 $0xFFFFC000  }
.LBB1_1:
0x14: {  	p0 =	sge.u32 s11, s6  }
0x15: {  	s13 =	sxor.u32 @!p0 $0xFFFFFFFF, s11  }
0x16: {  	s31 =	sadd.s32 $0xFFFFFFFF, s11;
	s14 =	sshll.u32 @!p0 s10, $0xA;
	s13 =	sshll.u32 @!p0 s13, $0xE  }
0x17: {  	s15 =	simm.s32 @!p0 $0x0;
	s14 =	sadd.s32 @!p0 s3, s14;
	s13 =	sand.u32 @!p0 $0x4000, s13  }
0x18: {  	[tilespmem:s13], [sflag:$0x1] =	stream.linear.gather @!p0 [hbm4b:s14+s15], $0x4000, $0x38;
	[tilespmem:$0x10000] =	vst v63  }
0x19: {  	p0 =	sge.u32 s31, s6  }
.Ltmp2:
0x1a: {  	_ = 	snop;
	(pc) =	sbr.rel @p0 .LBB1_9-.Ltmp2, $1  }
0x1b: {  	_ =	sdelay $0x3  }
0x1c: {  	s13 =	sshll.u32 s9, $0x2  }
0x1d: {  	_ =	swait.ge [sflag:s5], $0x4000;
	s14 =	sshll.u32 s11, $0xE;
	s16 =	simm.s32 $0x0  }
0x1e: {  	p1 =	por $0x1, $0x1;
	s13 =	sand.u32 $0x10000, s13;
	[sflag:s5] =	ssyncset.done $0x0  }
0x1f: {  	s14 =	sand.u32 $0x4000, s14;
	s15 =	sshrl.u32 s13, $0x2;
	[sflag:s5] =	ssyncadd.s32 $0xFFFFC000  }
0x20: {  	s13 =	sor.u32 $0x8000, s14;
	s14 =	sadd.s32 $0x8040, s15;
	s15 =	sadd.s32 $0x40, s15  }
.LBB1_3:
0x21: {  	s16 =	sshll.u32 s16, $0x2  }
0x22: {  	p0 =	por p1, p1;
	s17 =	sshra.s32 s16, $0x2  }
0x23: {  	s18 =	simm.s32 $0x0;
	s16 =	sadd.s32 s17, s14;
	s17 =	sadd.s32 s17, s15  }
.LBB1_4:
0x24: {  	v0 =	vmov s17;
	_ =	sdelay $0x3  }
0x25: {  	s20 =	simm.s32 $0x0  }
0x26: {  	v6 =	vld.idx.msk [tilespmem:v0+s20+$0x30 ss:$0x1], $0xffff  }
0x27: {  	v7 =	vld.idx.msk [tilespmem:v0+s20+$0xFFFFFFC0 ss:$0x1], $0xffff  }
0x28: {  	v5 =	vld.idx.msk [tilespmem:v0+s20+$0xFFFFFFD0 ss:$0x1], $0xffff  }
0x29: {  	v4 =	vld.idx.msk [tilespmem:v0+s20+$0xFFFFFFE0 ss:$0x1], $0xffff  }
0x2a: {  	v3 =	vld.idx.msk [tilespmem:v0+s20+$0xFFFFFFF0 ss:$0x1], $0xffff  }
0x2b: {  	v1 =	vld.idx.msk [tilespmem:v0+s20+$0x0 ss:$0x1], $0xffff  }
0x2c: {  	v2 =	vld.idx.msk [tilespmem:v0+s20+$0x10 ss:$0x1], $0xffff;
	[tilespmem:s16+$0x30] =	vst v6  }
0x2d: {  	s19 =	simm.s32 $0x80;
	s21 =	simm.s32 $0x400;
	[tilespmem:s16+$0xFFFFFFC0] =	vst v7;
	v6 =	vld.idx.msk [tilespmem:v0+s20+$0x20 ss:$0x1], $0xffff;
	s20 =	smov.u32 s16  }
.LBB1_5:
0x2e: {  	p1 =	sne.s32 s21, $0xE00;
	v7 =	vld.idx.msk [tilespmem:v0+s19+$0x30 ss:$0x1], $0xffff;
	[tilespmem:s20+$0xFFFFFFD0] =	vst v5  }
0x2f: {  	v8 =	vld.idx.msk [tilespmem:v0+s19+$0xFFFFFFC0 ss:$0x1], $0xffff;
	[tilespmem:s20+$0xFFFFFFE0] =	vst v4  }
0x30: {  	v5 =	vld.idx.msk [tilespmem:v0+s19+$0xFFFFFFD0 ss:$0x1], $0xffff;
	[tilespmem:s20+$0xFFFFFFF0] =	vst v3  }
.Ltmp3:
0x31: {  	v4 =	vld.idx.msk [tilespmem:v0+s19+$0xFFFFFFE0 ss:$0x1], $0xffff;
	[tilespmem:s20+$0x0] =	vst v1;
	(pc) =	sbr.rel @p1 .LBB1_5-.Ltmp3, $4  }
0x32: {  	v3 =	vld.idx.msk [tilespmem:v0+s19+$0xFFFFFFF0 ss:$0x1], $0xffff;
	[tilespmem:s20+$0x10] =	vst v2  }
0x33: {  	v1 =	vld.idx.msk [tilespmem:v0+s19+$0x0 ss:$0x1], $0xffff;
	[tilespmem:s20+$0x20] =	vst v6;
	s20 =	sadd.s32 $0x400, s20  }
0x34: {  	v2 =	vld.idx.msk [tilespmem:v0+s19+$0x10 ss:$0x1], $0xffff;
	[tilespmem:s20+$0x30] =	vst v7  }
0x35: {  	[tilespmem:s20+$0xFFFFFFC0] =	vst v8;
	v6 =	vld.idx.msk [tilespmem:v0+s19+$0x20 ss:$0x1], $0xffff;
	s19 =	sshra.s32 s21, $0x2;
	s21 =	sadd.s32 $0x200, s21  }
0x36: {  	_ =	sdelay $0x2  }
0x37: {  	[tilespmem:s20+$0xFFFFFFD0] =	vst v5  }
0x38: {  	v56 =	vld.idx.msk [tilespmem:v0+s19+$0x30 ss:$0x1], $0xffff;
	[tilespmem:s20+$0xFFFFFFE0] =	vst v4  }
0x39: {  	v57 =	vld.idx.msk [tilespmem:v0+s19+$0xFFFFFFC0 ss:$0x1], $0xffff;
	[tilespmem:s20+$0xFFFFFFF0] =	vst v3  }
0x3a: {  	v58 =	vld.idx.msk [tilespmem:v0+s19+$0xFFFFFFD0 ss:$0x1], $0xffff;
	[tilespmem:s20+$0x0] =	vst v1  }
0x3b: {  	v59 =	vld.idx.msk [tilespmem:v0+s19+$0xFFFFFFE0 ss:$0x1], $0xffff;
	[tilespmem:s20+$0x10] =	vst v2  }
0x3c: {  	v60 =	vld.idx.msk [tilespmem:v0+s19+$0xFFFFFFF0 ss:$0x1], $0xffff;
	s31 =	sadd.s32 $0x400, s20;
	[tilespmem:s20+$0x20] =	vst v6  }
0x3d: {  	v61 =	vld.idx.msk [tilespmem:v0+s19+$0x0 ss:$0x1], $0xffff;
	[tilespmem:s31+$0x30] =	vst v56  }
0x3e: {  	v62 =	vld.idx.msk [tilespmem:v0+s19+$0x10 ss:$0x1], $0xffff;
	s18 =	sadd.s32 $0x1, s18;
	[tilespmem:s31+$0xFFFFFFC0] =	vst v57  }
0x3f: {  	v63 =	vld.idx.msk [tilespmem:v0+s19+$0x20 ss:$0x1], $0xffff;
	p1 =	sne.s32 s18, $0x8;
	[tilespmem:s31+$0xFFFFFFD0] =	vst v58  }
.Ltmp4:
0x40: {  	[tilespmem:s31+$0xFFFFFFE0] =	vst v59;
	(pc) =	sbr.rel @p1 .LBB1_4-.Ltmp4, $4  }
0x41: {  	[tilespmem:s31+$0xFFFFFFF0] =	vst v60  }
0x42: {  	[tilespmem:s31+$0x0] =	vst v61  }
0x43: {  	[tilespmem:s31+$0x10] =	vst v62  }
0x44: {  	s16 =	sadd.s32 $0x80, s16;
	s17 =	sadd.s32 $0x400, s17;
	[tilespmem:s31+$0x20] =	vst v63  }
.Ltmp5:
0x45: {  	(pc) =	sbr.rel @p0 .LBB1_3-.Ltmp5, $2  }
0x46: {  	_ =	sdelay $0x2  }
0x47: {  	s16 =	simm.s32 $0x2000;
	p1 =	por $0x0, $0x0  }
.Ltmp6:
0x48: {  	(pc) =	sbr.rel .LBB1_9-.Ltmp6, $4  }
0x49: {  	_ = 	snop  }
0x4a: {  	s12 =	sshll.u32 s12, $0xA  }
0x4b: {  	s12 =	sadd.s32 s4, s12  }
0x4c: {  	[hbm4b:s12+s8] =	stream.linear.scatter [tilespmem:s13], [sflag:$0x2], $0x4000, $0x38;
	[tilespmem:$0x10000] =	vst v63  }
.LBB1_10:
0x4d: {  	_ =	sfence.sel $0x180000  }
0x4e: {  	s2 =	simm.s32 $0x1;
	[bflag:$0x0] =	sbarrier.arrive $0xFFFF  }
0x4f: {  	s31 =	simm.s32 $0x2;
	[sflag:s2] =	ssyncpa.u1 $0x1  }
0x50: {  	[sflag:s31] =	ssyncpa.u1 $0x1  }
0x51: {  	p0 =	sne.s32 s0, $0x0;
	_ =	strace $0x90000047  }
0x52: {  	s0 =	sadd.s32 @!p0 $0x100000, s1;
	[bflag:$0x2] =	sbarrier.arrive $0xFFFF  }
0x53: {  	[sflag:s0] =	ssyncadd.tile.s32 @!p0 $0x1;
	_ =	shalt  }
.Lfunc_end1:
_tile_overlayer_lowered:
.L_overlay_start_2:
0x54: {  	(tag) =	ssettag $0x2  }
0x55: {  	s0 =	rddreg [dreg:$0x0];
	s2 =	stileid.u32  }
0x56: {  	s1 =	rddreg [dreg:$0x1];
	p0 =	sne.s32 s2, $0x0  }
0x57: {  	s3 =	rddreg [dreg:$0x2];
	[bflag:$0x3] =	sbarrier.arrive $0xFFFF;
	s2 =	simm.s32 @!p0 $0x1C01  }
0x58: {  	[timem:s3], [sflag:s2] =	dma.local @!p0 [hbm:s0], s1  }
0x59: {  	s0 =	simm.s32 @!p0 $0x1  }
0x5a: {  	_ =	swait.ge @!p0 [sflag:s0], s1  }
0x5b: {  	s1 =	ssub.s32 @!p0 $0x0, s1;
	[sflag:s0] =	ssyncset.done @!p0 $0x0  }
0x5c: {  	[sflag:s0] =	ssyncadd.s32 @!p0 s1  }
0x5d: {  	[bflag:$0x3] =	sbarrier.arrive $0xFFFF  }
0x5e: {  	_ =	shalt  }

</sc_bundles>
